<compile_context>
chip_gen: v7x
topology: tpu7x:2x2x1
jax: 0.10.2.dev20260603
libtpu: 0.0.44.dev20260713+nightly
codegen_flags: <defaults>
</compile_context>

<pallas_src>
import functools

import jax
import jax.numpy as jnp
from jax import lax
from jax.experimental import pallas as pl
from jax.experimental.pallas import tpu as pltpu
from jax.experimental.pallas import tpu_sc as plsc

N = 10000
E = 320000
D_IN = 128
D_HID = 256
HW = 64

NC = 2
NS = 16
CH = 128
NCHUNK = 160
EPAD = NS * NCHUNK * CH
NP = 10240
ROWS_PER_TILE = NP // NS
DW = 16
VSL = 16
NBUF = 4


def _sc_agg1_body(x2_hbm, src_hbm, dst_hbm, zf_hbm, zd_hbm, ones_hbm,
                  aggp_hbm, degp_hbm,
                  idx_s, idx_d, rows_a, rows_b, ones, accum, degacc,
                  sem_a, sem_b):
    cid = lax.axis_index("c")
    sid = lax.axis_index("s")
    r0 = sid * ROWS_PER_TILE
    pltpu.sync_copy(zf_hbm, accum.at[pl.ds(r0, ROWS_PER_TILE)])
    pltpu.sync_copy(zd_hbm, degacc.at[pl.ds(r0, ROWS_PER_TILE)])
    pltpu.sync_copy(src_hbm.at[cid, sid], idx_s)
    pltpu.sync_copy(dst_hbm.at[sid], idx_d)
    pltpu.sync_copy(ones_hbm, ones)

    def gather(c, buf, sem):
        pltpu.async_copy(x2_hbm.at[idx_s.at[c]], buf, sem)

    def wait_gather(c, buf, sem):
        pltpu.make_async_copy(x2_hbm.at[idx_s.at[c]], buf, sem).wait()

    def scatter(c, buf):
        pltpu.sync_copy(buf, accum.at[idx_d.at[c]], add=True)

        @pl.when(cid == 0)
        def _():
            pltpu.sync_copy(ones, degacc.at[idx_d.at[c]], add=True)

    plsc.subcore_barrier()
    gather(0, rows_a, sem_a)

    @pl.loop(0, NCHUNK, step=2)
    def _pair(j):
        gather(j + 1, rows_b, sem_b)
        wait_gather(j, rows_a, sem_a)
        scatter(j, rows_a)

        @pl.when(j + 2 < NCHUNK)
        def _():
            gather(j + 2, rows_a, sem_a)

        wait_gather(j + 1, rows_b, sem_b)
        scatter(j + 1, rows_b)

    plsc.subcore_barrier()
    pltpu.sync_copy(accum.at[pl.ds(r0, ROWS_PER_TILE)],
                    aggp_hbm.at[cid, pl.ds(r0, ROWS_PER_TILE)])

    @pl.when(cid == 0)
    def _():
        pltpu.sync_copy(degacc.at[pl.ds(r0, ROWS_PER_TILE)],
                        degp_hbm.at[pl.ds(r0, ROWS_PER_TILE)])


@functools.cache
def _get_sc_agg1():
    mesh = plsc.VectorSubcoreMesh(core_axis_name="c", subcore_axis_name="s",
                                  num_cores=NC, num_subcores=NS)
    return pl.kernel(
        _sc_agg1_body,
        out_type=(jax.ShapeDtypeStruct((NC, NP, HW), jnp.float32),
                  jax.ShapeDtypeStruct((NP, DW), jnp.float32)),
        mesh=mesh,
        compiler_params=pltpu.CompilerParams(use_tc_tiling_on_sc=False),
        scratch_types=[
            pltpu.VMEM((NCHUNK, CH), jnp.int32),
            pltpu.VMEM((NCHUNK, CH), jnp.int32),
            pltpu.VMEM((CH, HW), jnp.float32),
            pltpu.VMEM((CH, HW), jnp.float32),
            pltpu.VMEM((CH, DW), jnp.float32),
            pltpu.VMEM_SHARED((NP, HW), jnp.float32),
            pltpu.VMEM_SHARED((NP, DW), jnp.float32),
            pltpu.SemaphoreType.DMA,
            pltpu.SemaphoreType.DMA,
        ],
    )


def _sc_agg2_body(h4_hbm, src_hbm, dst_hbm, zf_hbm,
                  agg2p_hbm,
                  idx_s, idx_d, rows_a, rows_b, accum, sem_a, sem_b):
    cid = lax.axis_index("c")
    sid = lax.axis_index("s")
    r0 = sid * ROWS_PER_TILE
    pltpu.sync_copy(dst_hbm.at[sid], idx_d)

    def gather(c, buf, sem):
        pltpu.async_copy(h4_hbm.at[idx_s.at[c]], buf, sem)

    def wait_gather(c, buf, sem):
        pltpu.make_async_copy(h4_hbm.at[idx_s.at[c]], buf, sem).wait()

    def scatter(c, buf):
        pltpu.sync_copy(buf, accum.at[idx_d.at[c]], add=True)

    for p in range(2):
        pltpu.sync_copy(src_hbm.at[cid * 2 + p, sid], idx_s)
        pltpu.sync_copy(zf_hbm, accum.at[pl.ds(r0, ROWS_PER_TILE)])
        plsc.subcore_barrier()
        gather(0, rows_a, sem_a)

        @pl.loop(0, NCHUNK, step=2)
        def _pair(j):
            gather(j + 1, rows_b, sem_b)
            wait_gather(j, rows_a, sem_a)
            scatter(j, rows_a)

            @pl.when(j + 2 < NCHUNK)
            def _():
                gather(j + 2, rows_a, sem_a)

            wait_gather(j + 1, rows_b, sem_b)
            scatter(j + 1, rows_b)

        plsc.subcore_barrier()
        pltpu.sync_copy(accum.at[pl.ds(r0, ROWS_PER_TILE)],
                        agg2p_hbm.at[cid * 2 + p, pl.ds(r0, ROWS_PER_TILE)])
        plsc.subcore_barrier()


@functools.cache
def _get_sc_agg2():
    mesh = plsc.VectorSubcoreMesh(core_axis_name="c", subcore_axis_name="s",
                                  num_cores=NC, num_subcores=NS)
    return pl.kernel(
        _sc_agg2_body,
        out_type=jax.ShapeDtypeStruct((4, NP, HW), jnp.float32),
        mesh=mesh,
        compiler_params=pltpu.CompilerParams(use_tc_tiling_on_sc=False),
        scratch_types=[
            pltpu.VMEM((NCHUNK, CH), jnp.int32),
            pltpu.VMEM((NCHUNK, CH), jnp.int32),
            pltpu.VMEM((CH, HW), jnp.float32),
            pltpu.VMEM((CH, HW), jnp.float32),
            pltpu.VMEM_SHARED((NP, HW), jnp.float32),
            pltpu.SemaphoreType.DMA,
            pltpu.SemaphoreType.DMA,
        ],
    )


R_BLK = 1000


def _tc_layer1_body(x_ref, aggp_ref, degp_ref, ws_ref, wn_ref, b_ref, h_ref):
    deg = degp_ref[:, 0:1]
    inv = 1.0 / jnp.maximum(deg, 1.0)
    nbar = jnp.concatenate([aggp_ref[0], aggp_ref[1]], axis=1) * inv
    h = (jnp.dot(x_ref[...], ws_ref[...], preferred_element_type=jnp.float32)
         + jnp.dot(nbar, wn_ref[...], preferred_element_type=jnp.float32)
         + b_ref[...])
    h_ref[...] = jnp.maximum(h, 0.0)


def _tc_layer2_body(h_ref, agg2p_ref, degp_ref, ws_ref, wn_ref, b_ref, o_ref):
    deg = degp_ref[:, 0:1]
    inv = 1.0 / jnp.maximum(deg, 1.0)
    nbar = jnp.concatenate([agg2p_ref[q] for q in range(4)], axis=1) * inv
    o = (jnp.dot(h_ref[...], ws_ref[...], preferred_element_type=jnp.float32)
         + jnp.dot(nbar, wn_ref[...], preferred_element_type=jnp.float32)
         + b_ref[...])
    o_ref[...] = jnp.maximum(o, 0.0)


def _row_spec(shape_tail):
    return pl.BlockSpec((R_BLK,) + shape_tail, lambda i: (i,) + (0,) * len(shape_tail))


def _part_spec(nparts):
    return pl.BlockSpec((nparts, R_BLK, HW), lambda i: (0, i, 0))


def _full_spec(shape):
    return pl.BlockSpec(shape, lambda i: (0,) * len(shape))


_tc_layer1 = pl.pallas_call(
    _tc_layer1_body,
    grid=(N // R_BLK,),
    in_specs=[
        _row_spec((D_IN,)),
        _part_spec(NC),
        _row_spec((DW,)),
        _full_spec((D_IN, D_HID)),
        _full_spec((D_IN, D_HID)),
        _full_spec((1, D_HID)),
    ],
    out_specs=_row_spec((D_HID,)),
    out_shape=jax.ShapeDtypeStruct((N, D_HID), jnp.float32),
)

_tc_layer2 = pl.pallas_call(
    _tc_layer2_body,
    grid=(N // R_BLK,),
    in_specs=[
        _row_spec((D_HID,)),
        _part_spec(4),
        _row_spec((DW,)),
        _full_spec((D_HID, D_HID)),
        _full_spec((D_HID, D_HID)),
        _full_spec((1, D_HID)),
    ],
    out_specs=_row_spec((D_HID,)),
    out_shape=jax.ShapeDtypeStruct((N, D_HID), jnp.float32),
)


def kernel(x, edge_index, W_self1, W_neigh1, b1, W_self2, W_neigh2, b2):
    pad = EPAD - E
    src = jnp.concatenate(
        [edge_index[0].astype(jnp.int32), jnp.zeros((pad,), jnp.int32)]
    ).reshape(NS, NCHUNK, CH)
    trash = N + jnp.arange(pad, dtype=jnp.int32) % (NP - N)
    dst = jnp.concatenate(
        [edge_index[1].astype(jnp.int32), trash]
    ).reshape(NS, NCHUNK, CH)
    src1 = jnp.stack([2 * src, 2 * src + 1])
    src2 = jnp.stack([4 * src + q for q in range(4)])
    zf = jnp.zeros((ROWS_PER_TILE, HW), jnp.float32)
    zd = jnp.zeros((ROWS_PER_TILE, DW), jnp.float32)
    ones = jnp.ones((CH, DW), jnp.float32)

    aggp, degp = _get_sc_agg1()(x.reshape(NC * N, HW), src1, dst, zf, zd, ones)
    h1 = _tc_layer1(x, aggp, degp, W_self1, W_neigh1, b1.reshape(1, D_HID))
    agg2p = _get_sc_agg2()(h1.reshape(4 * N, HW), src2, dst, zf)
    out = _tc_layer2(h1, agg2p, degp, W_self2, W_neigh2, b2.reshape(1, D_HID))
    return out

# --- scband reference (transcript-rebuilt; emitter-appended) ---
"""Pipeline reference for scband-sage-29566554865945 (READ-ONLY COPY).

The authoritative reference and input builder live on the scoring server;
editing this copy changes nothing except your own understanding.
"""

import jax, jax.numpy as jnp
import numpy as np

N = 10000
E = 320000
D_IN = 128
D_HID = 256

def setup_inputs(seed: int = 0) -> dict:
    key = jax.random.key(seed)
    ks = jax.random.split(key, 10)
    x = jax.random.normal(ks[0], (N, D_IN), dtype=jnp.float32)
    edge_index = jax.random.randint(ks[1], (2, E), 0, N, dtype=jnp.int64)
    s1 = 1.0 / np.sqrt(D_IN)
    s2 = 1.0 / np.sqrt(D_HID)
    W_self1 = jax.random.uniform(ks[2], (D_IN, D_HID), jnp.float32, -s1, s1)
    W_neigh1 = jax.random.uniform(ks[3], (D_IN, D_HID), jnp.float32, -s1, s1)
    b1 = jnp.zeros((D_HID,), jnp.float32)
    W_self2 = jax.random.uniform(ks[4], (D_HID, D_HID), jnp.float32, -s2, s2)
    W_neigh2 = jax.random.uniform(ks[5], (D_HID, D_HID), jnp.float32, -s2, s2)
    b2 = jnp.zeros((D_HID,), jnp.float32)
    return {"x": x, "edge_index": edge_index, "W_self1": W_self1, "W_neigh1": W_neigh1, "b1": b1, "W_self2": W_self2, "W_neigh2": W_neigh2, "b2": b2}


def _sage_layer(h, src, dst, n_nodes, W_self, W_neigh, b):
    # DGL SAGEConv with 'mean' aggregation:
    #   h_neigh = mean over incoming neighbor features
    #   out = h @ W_self + h_neigh @ W_neigh + b
    msgs = jnp.take(h, src, axis=0)
    agg = jax.ops.segment_sum(msgs, dst, num_segments=n_nodes)
    deg = jax.ops.segment_sum(jnp.ones((src.shape[0],), h.dtype), dst, num_segments=n_nodes)
    h_neigh = agg / jnp.clip(deg, 1.0)[:, None]
    return h @ W_self + h_neigh @ W_neigh + b


def reference(x, edge_index, W_self1, W_neigh1, b1, W_self2, W_neigh2, b2):
    n_nodes = x.shape[0]
    src = edge_index[0]
    dst = edge_index[1]
    # layer 1: SAGEConv(in_size, hid_size, 'mean') -> relu -> dropout(p=0.0, identity)
    h = _sage_layer(x, src, dst, n_nodes, W_self1, W_neigh1, b1)
    h = jax.nn.relu(h)
    # layer 2: SAGEConv(hid_size, hid_size, 'mean') -> relu -> dropout(p=0.0, identity)
    h = _sage_layer(h, src, dst, n_nodes, W_self2, W_neigh2, b2)
    h = jax.nn.relu(h)
    return h

if __name__ == "__main__":
    import jax
    _d = setup_inputs()
    print(jax.jit(kernel)(*tuple(_d.values())))

</pallas_src>

<mosaic_0001>
#map = affine_map<(d0, d1) -> (0, 0)>
#map1 = affine_map<(d0, d1) -> (0, 0, 0, 0)>
#map2 = affine_map<(d0, d1) -> (0, 0, 0)>
module attributes {stable_mosaic.version = 14 : i64} {
  func.func @_sc_agg2_body(%arg0: i32, %arg1: i32, %arg2: memref<40000x64xf32, #tpu.memory_space<hbm>>, %arg3: memref<4x16x160x128xi32, #tpu.memory_space<hbm>>, %arg4: memref<16x160x128xi32, #tpu.memory_space<hbm>>, %arg5: memref<640x64xf32, #tpu.memory_space<hbm>>, %arg6: memref<4x10240x64xf32, #tpu.memory_space<hbm>>, %arg7: memref<160x128xi32, #tpu.memory_space<vmem>>, %arg8: memref<160x128xi32, #tpu.memory_space<vmem>>, %arg9: memref<128x64xf32, #tpu.memory_space<vmem>>, %arg10: memref<128x64xf32, #tpu.memory_space<vmem>>, %arg11: memref<10240x64xf32, #tpu.memory_space<vmem_shared>>, %arg12: memref<!tpu.dma_semaphore, #tpu.memory_space<semaphore_mem>>, %arg13: memref<!tpu.dma_semaphore, #tpu.memory_space<semaphore_mem>>) attributes {dimension_semantics = [#tpu.dimension_semantics<core_parallel>, #tpu.dimension_semantics<subcore_parallel>], iteration_bounds = array<i64: 2, 16>, scalar_prefetch = 0 : i64, scratch_operands = 7 : i64, tpu.core_type = #tpu.core_type<sc_vector_subcore>, window_params = [{transform_indices = #map}, {transform_indices = #map1}, {transform_indices = #map2}, {transform_indices = #map}, {transform_indices = #map2}]} {
    %mul3A = arith.constant 640 : i32
    %mul3A_0 = arith.muli %arg1, %mul3A : i32
    "tpu.region"() ({
      %run_scoped3A = tpu.sem_alloc : memref<!tpu.dma_semaphore, #tpu.memory_space<semaphore_mem>>
      %dma_start3A_43 = arith.constant 0 : i32
      %dma_start3A_44 = arith.constant 0 : i32
      %dma_start3A_45 = tpu.memref_slice %arg4[%arg1, %dma_start3A_43, %dma_start3A_44] : memref<16x160x128xi32, #tpu.memory_space<hbm>> -> memref<1x160x128xi32, #tpu.memory_space<hbm>>
      %dma_start3A_46 = tpu.memref_squeeze %dma_start3A_45 : memref<1x160x128xi32, #tpu.memory_space<hbm>> -> memref<160x128xi32, #tpu.memory_space<hbm>>
      %dma_start3A_47 = arith.constant 0 : i32
      %dma_start3A_48 = arith.constant 0 : i32
      %dma_start3A_49 = tpu.memref_slice %arg4[%arg1, %dma_start3A_47, %dma_start3A_48] : memref<16x160x128xi32, #tpu.memory_space<hbm>> -> memref<1x160x128xi32, #tpu.memory_space<hbm>>
      %dma_start3A_50 = tpu.memref_squeeze %dma_start3A_49 : memref<1x160x128xi32, #tpu.memory_space<hbm>> -> memref<160x128xi32, #tpu.memory_space<hbm>>
      tpu.enqueue_dma source(%dma_start3A_50 : memref<160x128xi32, #tpu.memory_space<hbm>>) target(%arg8 : memref<160x128xi32, #tpu.memory_space<vmem>>) target_semaphore(%run_scoped3A : memref<!tpu.dma_semaphore, #tpu.memory_space<semaphore_mem>>)
      %dma_wait3A = arith.constant 0 : i32
      %dma_wait3A_51 = arith.constant 0 : i32
      %dma_wait3A_52 = tpu.memref_slice %arg4[%arg1, %dma_wait3A, %dma_wait3A_51] : memref<16x160x128xi32, #tpu.memory_space<hbm>> -> memref<1x160x128xi32, #tpu.memory_space<hbm>>
      %dma_wait3A_53 = tpu.memref_squeeze %dma_wait3A_52 : memref<1x160x128xi32, #tpu.memory_space<hbm>> -> memref<160x128xi32, #tpu.memory_space<hbm>>
      %dma_wait3A_54 = arith.constant 0 : i32
      %dma_wait3A_55 = arith.constant 0 : i32
      %dma_wait3A_56 = tpu.memref_slice %arg4[%arg1, %dma_wait3A_54, %dma_wait3A_55] : memref<16x160x128xi32, #tpu.memory_space<hbm>> -> memref<1x160x128xi32, #tpu.memory_space<hbm>>
      %dma_wait3A_57 = tpu.memref_squeeze %dma_wait3A_56 : memref<1x160x128xi32, #tpu.memory_space<hbm>> -> memref<160x128xi32, #tpu.memory_space<hbm>>
      tpu.wait_dma2 semaphore(%run_scoped3A : memref<!tpu.dma_semaphore, #tpu.memory_space<semaphore_mem>>) src(%dma_wait3A_57 : memref<160x128xi32, #tpu.memory_space<hbm>>) dst(%arg8 : memref<160x128xi32, #tpu.memory_space<vmem>>)
      tpu.yield
    }) : () -> ()
    %mul3A_1 = arith.constant 2 : i32
    %mul3A_2 = arith.muli %arg0, %mul3A_1 : i32
    %add3A = arith.constant 0 : i32
    %add3A_3 = arith.addi %mul3A_2, %add3A : i32
    "tpu.region"() ({
      %run_scoped3A = tpu.sem_alloc : memref<!tpu.dma_semaphore, #tpu.memory_space<semaphore_mem>>
      %dma_start3A_43 = arith.constant 0 : i32
      %dma_start3A_44 = arith.constant 0 : i32
      %dma_start3A_45 = tpu.memref_slice %arg3[%add3A_3, %arg1, %dma_start3A_43, %dma_start3A_44] : memref<4x16x160x128xi32, #tpu.memory_space<hbm>> -> memref<1x1x160x128xi32, #tpu.memory_space<hbm>>
      %dma_start3A_46 = tpu.memref_squeeze %dma_start3A_45 : memref<1x1x160x128xi32, #tpu.memory_space<hbm>> -> memref<160x128xi32, #tpu.memory_space<hbm>>
      %dma_start3A_47 = arith.constant 0 : i32
      %dma_start3A_48 = arith.constant 0 : i32
      %dma_start3A_49 = tpu.memref_slice %arg3[%add3A_3, %arg1, %dma_start3A_47, %dma_start3A_48] : memref<4x16x160x128xi32, #tpu.memory_space<hbm>> -> memref<1x1x160x128xi32, #tpu.memory_space<hbm>>
      %dma_start3A_50 = tpu.memref_squeeze %dma_start3A_49 : memref<1x1x160x128xi32, #tpu.memory_space<hbm>> -> memref<160x128xi32, #tpu.memory_space<hbm>>
      tpu.enqueue_dma source(%dma_start3A_50 : memref<160x128xi32, #tpu.memory_space<hbm>>) target(%arg7 : memref<160x128xi32, #tpu.memory_space<vmem>>) target_semaphore(%run_scoped3A : memref<!tpu.dma_semaphore, #tpu.memory_space<semaphore_mem>>)
      %dma_wait3A = arith.constant 0 : i32
      %dma_wait3A_51 = arith.constant 0 : i32
      %dma_wait3A_52 = tpu.memref_slice %arg3[%add3A_3, %arg1, %dma_wait3A, %dma_wait3A_51] : memref<4x16x160x128xi32, #tpu.memory_space<hbm>> -> memref<1x1x160x128xi32, #tpu.memory_space<hbm>>
      %dma_wait3A_53 = tpu.memref_squeeze %dma_wait3A_52 : memref<1x1x160x128xi32, #tpu.memory_space<hbm>> -> memref<160x128xi32, #tpu.memory_space<hbm>>
      %dma_wait3A_54 = arith.constant 0 : i32
      %dma_wait3A_55 = arith.constant 0 : i32
      %dma_wait3A_56 = tpu.memref_slice %arg3[%add3A_3, %arg1, %dma_wait3A_54, %dma_wait3A_55] : memref<4x16x160x128xi32, #tpu.memory_space<hbm>> -> memref<1x1x160x128xi32, #tpu.memory_space<hbm>>
      %dma_wait3A_57 = tpu.memref_squeeze %dma_wait3A_56 : memref<1x1x160x128xi32, #tpu.memory_space<hbm>> -> memref<160x128xi32, #tpu.memory_space<hbm>>
      tpu.wait_dma2 semaphore(%run_scoped3A : memref<!tpu.dma_semaphore, #tpu.memory_space<semaphore_mem>>) src(%dma_wait3A_57 : memref<160x128xi32, #tpu.memory_space<hbm>>) dst(%arg7 : memref<160x128xi32, #tpu.memory_space<vmem>>)
      tpu.yield
    }) : () -> ()
    "tpu.region"() ({
      %run_scoped3A = tpu.sem_alloc : memref<!tpu.dma_semaphore, #tpu.memory_space<semaphore_mem>>
      %dma_start3A_43 = arith.constant 0 : i32
      %dma_start3A_44 = tpu.memref_slice %arg11[%mul3A_0, %dma_start3A_43] : memref<10240x64xf32, #tpu.memory_space<vmem_shared>> -> memref<640x64xf32, #tpu.memory_space<vmem_shared>>
      tpu.enqueue_dma source(%arg5 : memref<640x64xf32, #tpu.memory_space<hbm>>) target(%dma_start3A_44 : memref<640x64xf32, #tpu.memory_space<vmem_shared>>) target_semaphore(%run_scoped3A : memref<!tpu.dma_semaphore, #tpu.memory_space<semaphore_mem>>)
      %dma_wait3A = arith.constant 0 : i32
      %dma_wait3A_45 = tpu.memref_slice %arg11[%mul3A_0, %dma_wait3A] : memref<10240x64xf32, #tpu.memory_space<vmem_shared>> -> memref<640x64xf32, #tpu.memory_space<vmem_shared>>
      tpu.wait_dma2 semaphore(%run_scoped3A : memref<!tpu.dma_semaphore, #tpu.memory_space<semaphore_mem>>) src(%arg5 : memref<640x64xf32, #tpu.memory_space<hbm>>) dst(%dma_wait3A_45 : memref<640x64xf32, #tpu.memory_space<vmem_shared>>)
      tpu.yield
    }) : () -> ()
    %barrier3A = arith.constant 0 : index
    tpu.barrier barrier_id(%barrier3A)
    %dma_start3A = arith.constant 0 : i32
    %dma_start3A_4 = arith.constant 0 : i32
    %dma_start3A_5 = tpu.memref_slice %arg7[%dma_start3A, %dma_start3A_4] : memref<160x128xi32, #tpu.memory_space<vmem>> -> memref<1x128xi32, #tpu.memory_space<vmem>>
    %dma_start3A_6 = tpu.memref_squeeze %dma_start3A_5 : memref<1x128xi32, #tpu.memory_space<vmem>> -> memref<128xi32, #tpu.memory_space<vmem>>
    %dma_start3A_7 = arith.constant 0 : i32
    %dma_start3A_8 = arith.constant 0 : i32
    %dma_start3A_9 = tpu.memref_slice %arg2[%dma_start3A_7, %dma_start3A_8] : memref<40000x64xf32, #tpu.memory_space<hbm>> -> memref<40000x64xf32, #tpu.memory_space<hbm>>
    tpu.enqueue_indirect_dma source(%dma_start3A_9 : memref<40000x64xf32, #tpu.memory_space<hbm>>) target(%arg9 : memref<128x64xf32, #tpu.memory_space<vmem>>) offsets(%dma_start3A_6 : memref<128xi32, #tpu.memory_space<vmem>>) semaphore(%arg12 : memref<!tpu.dma_semaphore, #tpu.memory_space<semaphore_mem>>)
    %scan3A = arith.constant 0 : i32
    %scan3A_10 = arith.constant 80 : i32
    %scan3A_11 = arith.addi %scan3A, %scan3A_10 : i32
    %scan3A_12 = arith.constant 1 : i32
    scf.for %scan3A_43 = %scan3A to %scan3A_11 step %scan3A_12  : i32 {
      %mul3A_44 = arith.constant 2 : i32
      %mul3A_45 = arith.muli %scan3A_43, %mul3A_44 : i32
      %add3A_46 = arith.constant 0 : i32
      %add3A_47 = arith.addi %add3A_46, %mul3A_45 : i32
      %add3A_48 = arith.constant 1 : i32
      %add3A_49 = arith.addi %add3A_47, %add3A_48 : i32
      %dma_start3A_50 = arith.constant 0 : i32
      %dma_start3A_51 = tpu.memref_slice %arg7[%add3A_49, %dma_start3A_50] : memref<160x128xi32, #tpu.memory_space<vmem>> -> memref<1x128xi32, #tpu.memory_space<vmem>>
      %dma_start3A_52 = tpu.memref_squeeze %dma_start3A_51 : memref<1x128xi32, #tpu.memory_space<vmem>> -> memref<128xi32, #tpu.memory_space<vmem>>
      %dma_start3A_53 = arith.constant 0 : i32
      %dma_start3A_54 = arith.constant 0 : i32
      %dma_start3A_55 = tpu.memref_slice %arg2[%dma_start3A_53, %dma_start3A_54] : memref<40000x64xf32, #tpu.memory_space<hbm>> -> memref<40000x64xf32, #tpu.memory_space<hbm>>
      tpu.enqueue_indirect_dma source(%dma_start3A_55 : memref<40000x64xf32, #tpu.memory_space<hbm>>) target(%arg10 : memref<128x64xf32, #tpu.memory_space<vmem>>) offsets(%dma_start3A_52 : memref<128xi32, #tpu.memory_space<vmem>>) semaphore(%arg13 : memref<!tpu.dma_semaphore, #tpu.memory_space<semaphore_mem>>)
      %dma_wait3A = arith.constant 0 : i32
      %dma_wait3A_56 = tpu.memref_slice %arg7[%add3A_47, %dma_wait3A] : memref<160x128xi32, #tpu.memory_space<vmem>> -> memref<1x128xi32, #tpu.memory_space<vmem>>
      %dma_wait3A_57 = tpu.memref_squeeze %dma_wait3A_56 : memref<1x128xi32, #tpu.memory_space<vmem>> -> memref<128xi32, #tpu.memory_space<vmem>>
      %dma_wait3A_58 = arith.constant 0 : i32
      %dma_wait3A_59 = arith.constant 0 : i32
      %dma_wait3A_60 = tpu.memref_slice %arg2[%dma_wait3A_58, %dma_wait3A_59] : memref<40000x64xf32, #tpu.memory_space<hbm>> -> memref<40000x64xf32, #tpu.memory_space<hbm>>
      tpu.wait_indirect_dma semaphore(%arg12 : memref<!tpu.dma_semaphore, #tpu.memory_space<semaphore_mem>>) src(%dma_wait3A_60 : memref<40000x64xf32, #tpu.memory_space<hbm>>) dst(%arg9 : memref<128x64xf32, #tpu.memory_space<vmem>>)
      "tpu.region"() ({
        %run_scoped3A = tpu.sem_alloc : memref<!tpu.dma_semaphore, #tpu.memory_space<semaphore_mem>>
        %dma_start3A_75 = arith.constant 0 : i32
        %dma_start3A_76 = tpu.memref_slice %arg8[%add3A_47, %dma_start3A_75] : memref<160x128xi32, #tpu.memory_space<vmem>> -> memref<1x128xi32, #tpu.memory_space<vmem>>
        %dma_start3A_77 = tpu.memref_squeeze %dma_start3A_76 : memref<1x128xi32, #tpu.memory_space<vmem>> -> memref<128xi32, #tpu.memory_space<vmem>>
        %dma_start3A_78 = arith.constant 0 : i32
        %dma_start3A_79 = arith.constant 0 : i32
        %dma_start3A_80 = tpu.memref_slice %arg11[%dma_start3A_78, %dma_start3A_79] : memref<10240x64xf32, #tpu.memory_space<vmem_shared>> -> memref<10240x64xf32, #tpu.memory_space<vmem_shared>>
        tpu.enqueue_indirect_dma source(%arg9 : memref<128x64xf32, #tpu.memory_space<vmem>>) target(%dma_start3A_80 : memref<10240x64xf32, #tpu.memory_space<vmem_shared>>) offsets(%dma_start3A_77 : memref<128xi32, #tpu.memory_space<vmem>>) semaphore(%run_scoped3A : memref<!tpu.dma_semaphore, #tpu.memory_space<semaphore_mem>>) {add = true}
        %dma_wait3A_81 = arith.constant 0 : i32
        %dma_wait3A_82 = tpu.memref_slice %arg8[%add3A_47, %dma_wait3A_81] : memref<160x128xi32, #tpu.memory_space<vmem>> -> memref<1x128xi32, #tpu.memory_space<vmem>>
        %dma_wait3A_83 = tpu.memref_squeeze %dma_wait3A_82 : memref<1x128xi32, #tpu.memory_space<vmem>> -> memref<128xi32, #tpu.memory_space<vmem>>
        %dma_wait3A_84 = arith.constant 0 : i32
        %dma_wait3A_85 = arith.constant 0 : i32
        %dma_wait3A_86 = tpu.memref_slice %arg11[%dma_wait3A_84, %dma_wait3A_85] : memref<10240x64xf32, #tpu.memory_space<vmem_shared>> -> memref<10240x64xf32, #tpu.memory_space<vmem_shared>>
        tpu.wait_indirect_dma semaphore(%run_scoped3A : memref<!tpu.dma_semaphore, #tpu.memory_space<semaphore_mem>>) src(%arg9 : memref<128x64xf32, #tpu.memory_space<vmem>>) dst(%dma_wait3A_86 : memref<10240x64xf32, #tpu.memory_space<vmem_shared>>)
        tpu.yield
      }) : () -> ()
      %add3A_61 = arith.constant 2 : i32
      %add3A_62 = arith.addi %add3A_47, %add3A_61 : i32
      %lt3A = arith.constant 160 : i32
      %lt3A_63 = arith.cmpi slt, %add3A_62, %lt3A : i32
      %convert_element_type3A = arith.extui %lt3A_63 : i1 to i32
      %cond3A = arith.constant 0 : i32
      %cond3A_64 = arith.cmpi ne, %convert_element_type3A, %cond3A : i32
      scf.if %cond3A_64 {
        %add3A_75 = arith.constant 2 : i32
        %add3A_76 = arith.addi %add3A_47, %add3A_75 : i32
        %dma_start3A_77 = arith.constant 0 : i32
        %dma_start3A_78 = tpu.memref_slice %arg7[%add3A_76, %dma_start3A_77] : memref<160x128xi32, #tpu.memory_space<vmem>> -> memref<1x128xi32, #tpu.memory_space<vmem>>
        %dma_start3A_79 = tpu.memref_squeeze %dma_start3A_78 : memref<1x128xi32, #tpu.memory_space<vmem>> -> memref<128xi32, #tpu.memory_space<vmem>>
        %dma_start3A_80 = arith.constant 0 : i32
        %dma_start3A_81 = arith.constant 0 : i32
        %dma_start3A_82 = tpu.memref_slice %arg2[%dma_start3A_80, %dma_start3A_81] : memref<40000x64xf32, #tpu.memory_space<hbm>> -> memref<40000x64xf32, #tpu.memory_space<hbm>>
        tpu.enqueue_indirect_dma source(%dma_start3A_82 : memref<40000x64xf32, #tpu.memory_space<hbm>>) target(%arg9 : memref<128x64xf32, #tpu.memory_space<vmem>>) offsets(%dma_start3A_79 : memref<128xi32, #tpu.memory_space<vmem>>) semaphore(%arg12 : memref<!tpu.dma_semaphore, #tpu.memory_space<semaphore_mem>>)
      } else {
      }
      %add3A_65 = arith.constant 1 : i32
      %add3A_66 = arith.addi %add3A_47, %add3A_65 : i32
      %dma_wait3A_67 = arith.constant 0 : i32
      %dma_wait3A_68 = tpu.memref_slice %arg7[%add3A_66, %dma_wait3A_67] : memref<160x128xi32, #tpu.memory_space<vmem>> -> memref<1x128xi32, #tpu.memory_space<vmem>>
      %dma_wait3A_69 = tpu.memref_squeeze %dma_wait3A_68 : memref<1x128xi32, #tpu.memory_space<vmem>> -> memref<128xi32, #tpu.memory_space<vmem>>
      %dma_wait3A_70 = arith.constant 0 : i32
      %dma_wait3A_71 = arith.constant 0 : i32
      %dma_wait3A_72 = tpu.memref_slice %arg2[%dma_wait3A_70, %dma_wait3A_71] : memref<40000x64xf32, #tpu.memory_space<hbm>> -> memref<40000x64xf32, #tpu.memory_space<hbm>>
      tpu.wait_indirect_dma semaphore(%arg13 : memref<!tpu.dma_semaphore, #tpu.memory_space<semaphore_mem>>) src(%dma_wait3A_72 : memref<40000x64xf32, #tpu.memory_space<hbm>>) dst(%arg10 : memref<128x64xf32, #tpu.memory_space<vmem>>)
      %add3A_73 = arith.constant 1 : i32
      %add3A_74 = arith.addi %add3A_47, %add3A_73 : i32
      "tpu.region"() ({
        %run_scoped3A = tpu.sem_alloc : memref<!tpu.dma_semaphore, #tpu.memory_space<semaphore_mem>>
        %dma_start3A_75 = arith.constant 0 : i32
        %dma_start3A_76 = tpu.memref_slice %arg8[%add3A_74, %dma_start3A_75] : memref<160x128xi32, #tpu.memory_space<vmem>> -> memref<1x128xi32, #tpu.memory_space<vmem>>
        %dma_start3A_77 = tpu.memref_squeeze %dma_start3A_76 : memref<1x128xi32, #tpu.memory_space<vmem>> -> memref<128xi32, #tpu.memory_space<vmem>>
        %dma_start3A_78 = arith.constant 0 : i32
        %dma_start3A_79 = arith.constant 0 : i32
        %dma_start3A_80 = tpu.memref_slice %arg11[%dma_start3A_78, %dma_start3A_79] : memref<10240x64xf32, #tpu.memory_space<vmem_shared>> -> memref<10240x64xf32, #tpu.memory_space<vmem_shared>>
        tpu.enqueue_indirect_dma source(%arg10 : memref<128x64xf32, #tpu.memory_space<vmem>>) target(%dma_start3A_80 : memref<10240x64xf32, #tpu.memory_space<vmem_shared>>) offsets(%dma_start3A_77 : memref<128xi32, #tpu.memory_space<vmem>>) semaphore(%run_scoped3A : memref<!tpu.dma_semaphore, #tpu.memory_space<semaphore_mem>>) {add = true}
        %dma_wait3A_81 = arith.constant 0 : i32
        %dma_wait3A_82 = tpu.memref_slice %arg8[%add3A_74, %dma_wait3A_81] : memref<160x128xi32, #tpu.memory_space<vmem>> -> memref<1x128xi32, #tpu.memory_space<vmem>>
        %dma_wait3A_83 = tpu.memref_squeeze %dma_wait3A_82 : memref<1x128xi32, #tpu.memory_space<vmem>> -> memref<128xi32, #tpu.memory_space<vmem>>
        %dma_wait3A_84 = arith.constant 0 : i32
        %dma_wait3A_85 = arith.constant 0 : i32
        %dma_wait3A_86 = tpu.memref_slice %arg11[%dma_wait3A_84, %dma_wait3A_85] : memref<10240x64xf32, #tpu.memory_space<vmem_shared>> -> memref<10240x64xf32, #tpu.memory_space<vmem_shared>>
        tpu.wait_indirect_dma semaphore(%run_scoped3A : memref<!tpu.dma_semaphore, #tpu.memory_space<semaphore_mem>>) src(%arg10 : memref<128x64xf32, #tpu.memory_space<vmem>>) dst(%dma_wait3A_86 : memref<10240x64xf32, #tpu.memory_space<vmem_shared>>)
        tpu.yield
      }) : () -> ()
    }
    %scan3A_13 = arith.constant 80 : i32
    %barrier3A_14 = arith.constant 0 : index
    tpu.barrier barrier_id(%barrier3A_14)
    %mul3A_15 = arith.constant 2 : i32
    %mul3A_16 = arith.muli %arg0, %mul3A_15 : i32
    %add3A_17 = arith.constant 0 : i32
    %add3A_18 = arith.addi %mul3A_16, %add3A_17 : i32
    "tpu.region"() ({
      %run_scoped3A = tpu.sem_alloc : memref<!tpu.dma_semaphore, #tpu.memory_space<semaphore_mem>>
      %dma_start3A_43 = arith.constant 0 : i32
      %dma_start3A_44 = tpu.memref_slice %arg6[%add3A_18, %mul3A_0, %dma_start3A_43] : memref<4x10240x64xf32, #tpu.memory_space<hbm>> -> memref<1x640x64xf32, #tpu.memory_space<hbm>>
      %dma_start3A_45 = tpu.memref_squeeze %dma_start3A_44 : memref<1x640x64xf32, #tpu.memory_space<hbm>> -> memref<640x64xf32, #tpu.memory_space<hbm>>
      %dma_start3A_46 = arith.constant 0 : i32
      %dma_start3A_47 = tpu.memref_slice %arg11[%mul3A_0, %dma_start3A_46] : memref<10240x64xf32, #tpu.memory_space<vmem_shared>> -> memref<640x64xf32, #tpu.memory_space<vmem_shared>>
      tpu.enqueue_dma source(%dma_start3A_47 : memref<640x64xf32, #tpu.memory_space<vmem_shared>>) target(%dma_start3A_45 : memref<640x64xf32, #tpu.memory_space<hbm>>) target_semaphore(%run_scoped3A : memref<!tpu.dma_semaphore, #tpu.memory_space<semaphore_mem>>)
      %dma_wait3A = arith.constant 0 : i32
      %dma_wait3A_48 = tpu.memref_slice %arg6[%add3A_18, %mul3A_0, %dma_wait3A] : memref<4x10240x64xf32, #tpu.memory_space<hbm>> -> memref<1x640x64xf32, #tpu.memory_space<hbm>>
      %dma_wait3A_49 = tpu.memref_squeeze %dma_wait3A_48 : memref<1x640x64xf32, #tpu.memory_space<hbm>> -> memref<640x64xf32, #tpu.memory_space<hbm>>
      %dma_wait3A_50 = arith.constant 0 : i32
      %dma_wait3A_51 = tpu.memref_slice %arg11[%mul3A_0, %dma_wait3A_50] : memref<10240x64xf32, #tpu.memory_space<vmem_shared>> -> memref<640x64xf32, #tpu.memory_space<vmem_shared>>
      tpu.wait_dma2 semaphore(%run_scoped3A : memref<!tpu.dma_semaphore, #tpu.memory_space<semaphore_mem>>) src(%dma_wait3A_51 : memref<640x64xf32, #tpu.memory_space<vmem_shared>>) dst(%dma_wait3A_49 : memref<640x64xf32, #tpu.memory_space<hbm>>)
      tpu.yield
    }) : () -> ()
    %barrier3A_19 = arith.constant 0 : index
    tpu.barrier barrier_id(%barrier3A_19)
    %mul3A_20 = arith.constant 2 : i32
    %mul3A_21 = arith.muli %arg0, %mul3A_20 : i32
    %add3A_22 = arith.constant 1 : i32
    %add3A_23 = arith.addi %mul3A_21, %add3A_22 : i32
    "tpu.region"() ({
      %run_scoped3A = tpu.sem_alloc : memref<!tpu.dma_semaphore, #tpu.memory_space<semaphore_mem>>
      %dma_start3A_43 = arith.constant 0 : i32
      %dma_start3A_44 = arith.constant 0 : i32
      %dma_start3A_45 = tpu.memref_slice %arg3[%add3A_23, %arg1, %dma_start3A_43, %dma_start3A_44] : memref<4x16x160x128xi32, #tpu.memory_space<hbm>> -> memref<1x1x160x128xi32, #tpu.memory_space<hbm>>
      %dma_start3A_46 = tpu.memref_squeeze %dma_start3A_45 : memref<1x1x160x128xi32, #tpu.memory_space<hbm>> -> memref<160x128xi32, #tpu.memory_space<hbm>>
      %dma_start3A_47 = arith.constant 0 : i32
      %dma_start3A_48 = arith.constant 0 : i32
      %dma_start3A_49 = tpu.memref_slice %arg3[%add3A_23, %arg1, %dma_start3A_47, %dma_start3A_48] : memref<4x16x160x128xi32, #tpu.memory_space<hbm>> -> memref<1x1x160x128xi32, #tpu.memory_space<hbm>>
      %dma_start3A_50 = tpu.memref_squeeze %dma_start3A_49 : memref<1x1x160x128xi32, #tpu.memory_space<hbm>> -> memref<160x128xi32, #tpu.memory_space<hbm>>
      tpu.enqueue_dma source(%dma_start3A_50 : memref<160x128xi32, #tpu.memory_space<hbm>>) target(%arg7 : memref<160x128xi32, #tpu.memory_space<vmem>>) target_semaphore(%run_scoped3A : memref<!tpu.dma_semaphore, #tpu.memory_space<semaphore_mem>>)
      %dma_wait3A = arith.constant 0 : i32
      %dma_wait3A_51 = arith.constant 0 : i32
      %dma_wait3A_52 = tpu.memref_slice %arg3[%add3A_23, %arg1, %dma_wait3A, %dma_wait3A_51] : memref<4x16x160x128xi32, #tpu.memory_space<hbm>> -> memref<1x1x160x128xi32, #tpu.memory_space<hbm>>
      %dma_wait3A_53 = tpu.memref_squeeze %dma_wait3A_52 : memref<1x1x160x128xi32, #tpu.memory_space<hbm>> -> memref<160x128xi32, #tpu.memory_space<hbm>>
      %dma_wait3A_54 = arith.constant 0 : i32
      %dma_wait3A_55 = arith.constant 0 : i32
      %dma_wait3A_56 = tpu.memref_slice %arg3[%add3A_23, %arg1, %dma_wait3A_54, %dma_wait3A_55] : memref<4x16x160x128xi32, #tpu.memory_space<hbm>> -> memref<1x1x160x128xi32, #tpu.memory_space<hbm>>
      %dma_wait3A_57 = tpu.memref_squeeze %dma_wait3A_56 : memref<1x1x160x128xi32, #tpu.memory_space<hbm>> -> memref<160x128xi32, #tpu.memory_space<hbm>>
      tpu.wait_dma2 semaphore(%run_scoped3A : memref<!tpu.dma_semaphore, #tpu.memory_space<semaphore_mem>>) src(%dma_wait3A_57 : memref<160x128xi32, #tpu.memory_space<hbm>>) dst(%arg7 : memref<160x128xi32, #tpu.memory_space<vmem>>)
      tpu.yield
    }) : () -> ()
    "tpu.region"() ({
      %run_scoped3A = tpu.sem_alloc : memref<!tpu.dma_semaphore, #tpu.memory_space<semaphore_mem>>
      %dma_start3A_43 = arith.constant 0 : i32
      %dma_start3A_44 = tpu.memref_slice %arg11[%mul3A_0, %dma_start3A_43] : memref<10240x64xf32, #tpu.memory_space<vmem_shared>> -> memref<640x64xf32, #tpu.memory_space<vmem_shared>>
      tpu.enqueue_dma source(%arg5 : memref<640x64xf32, #tpu.memory_space<hbm>>) target(%dma_start3A_44 : memref<640x64xf32, #tpu.memory_space<vmem_shared>>) target_semaphore(%run_scoped3A : memref<!tpu.dma_semaphore, #tpu.memory_space<semaphore_mem>>)
      %dma_wait3A = arith.constant 0 : i32
      %dma_wait3A_45 = tpu.memref_slice %arg11[%mul3A_0, %dma_wait3A] : memref<10240x64xf32, #tpu.memory_space<vmem_shared>> -> memref<640x64xf32, #tpu.memory_space<vmem_shared>>
      tpu.wait_dma2 semaphore(%run_scoped3A : memref<!tpu.dma_semaphore, #tpu.memory_space<semaphore_mem>>) src(%arg5 : memref<640x64xf32, #tpu.memory_space<hbm>>) dst(%dma_wait3A_45 : memref<640x64xf32, #tpu.memory_space<vmem_shared>>)
      tpu.yield
    }) : () -> ()
    %barrier3A_24 = arith.constant 0 : index
    tpu.barrier barrier_id(%barrier3A_24)
    %dma_start3A_25 = arith.constant 0 : i32
    %dma_start3A_26 = arith.constant 0 : i32
    %dma_start3A_27 = tpu.memref_slice %arg7[%dma_start3A_25, %dma_start3A_26] : memref<160x128xi32, #tpu.memory_space<vmem>> -> memref<1x128xi32, #tpu.memory_space<vmem>>
    %dma_start3A_28 = tpu.memref_squeeze %dma_start3A_27 : memref<1x128xi32, #tpu.memory_space<vmem>> -> memref<128xi32, #tpu.memory_space<vmem>>
    %dma_start3A_29 = arith.constant 0 : i32
    %dma_start3A_30 = arith.constant 0 : i32
    %dma_start3A_31 = tpu.memref_slice %arg2[%dma_start3A_29, %dma_start3A_30] : memref<40000x64xf32, #tpu.memory_space<hbm>> -> memref<40000x64xf32, #tpu.memory_space<hbm>>
    tpu.enqueue_indirect_dma source(%dma_start3A_31 : memref<40000x64xf32, #tpu.memory_space<hbm>>) target(%arg9 : memref<128x64xf32, #tpu.memory_space<vmem>>) offsets(%dma_start3A_28 : memref<128xi32, #tpu.memory_space<vmem>>) semaphore(%arg12 : memref<!tpu.dma_semaphore, #tpu.memory_space<semaphore_mem>>)
    %scan3A_32 = arith.constant 0 : i32
    %scan3A_33 = arith.constant 80 : i32
    %scan3A_34 = arith.addi %scan3A_32, %scan3A_33 : i32
    %scan3A_35 = arith.constant 1 : i32
    scf.for %scan3A_43 = %scan3A_32 to %scan3A_34 step %scan3A_35  : i32 {
      %mul3A_44 = arith.constant 2 : i32
      %mul3A_45 = arith.muli %scan3A_43, %mul3A_44 : i32
      %add3A_46 = arith.constant 0 : i32
      %add3A_47 = arith.addi %add3A_46, %mul3A_45 : i32
      %add3A_48 = arith.constant 1 : i32
      %add3A_49 = arith.addi %add3A_47, %add3A_48 : i32
      %dma_start3A_50 = arith.constant 0 : i32
      %dma_start3A_51 = tpu.memref_slice %arg7[%add3A_49, %dma_start3A_50] : memref<160x128xi32, #tpu.memory_space<vmem>> -> memref<1x128xi32, #tpu.memory_space<vmem>>
      %dma_start3A_52 = tpu.memref_squeeze %dma_start3A_51 : memref<1x128xi32, #tpu.memory_space<vmem>> -> memref<128xi32, #tpu.memory_space<vmem>>
      %dma_start3A_53 = arith.constant 0 : i32
      %dma_start3A_54 = arith.constant 0 : i32
      %dma_start3A_55 = tpu.memref_slice %arg2[%dma_start3A_53, %dma_start3A_54] : memref<40000x64xf32, #tpu.memory_space<hbm>> -> memref<40000x64xf32, #tpu.memory_space<hbm>>
      tpu.enqueue_indirect_dma source(%dma_start3A_55 : memref<40000x64xf32, #tpu.memory_space<hbm>>) target(%arg10 : memref<128x64xf32, #tpu.memory_space<vmem>>) offsets(%dma_start3A_52 : memref<128xi32, #tpu.memory_space<vmem>>) semaphore(%arg13 : memref<!tpu.dma_semaphore, #tpu.memory_space<semaphore_mem>>)
      %dma_wait3A = arith.constant 0 : i32
      %dma_wait3A_56 = tpu.memref_slice %arg7[%add3A_47, %dma_wait3A] : memref<160x128xi32, #tpu.memory_space<vmem>> -> memref<1x128xi32, #tpu.memory_space<vmem>>
      %dma_wait3A_57 = tpu.memref_squeeze %dma_wait3A_56 : memref<1x128xi32, #tpu.memory_space<vmem>> -> memref<128xi32, #tpu.memory_space<vmem>>
      %dma_wait3A_58 = arith.constant 0 : i32
      %dma_wait3A_59 = arith.constant 0 : i32
      %dma_wait3A_60 = tpu.memref_slice %arg2[%dma_wait3A_58, %dma_wait3A_59] : memref<40000x64xf32, #tpu.memory_space<hbm>> -> memref<40000x64xf32, #tpu.memory_space<hbm>>
      tpu.wait_indirect_dma semaphore(%arg12 : memref<!tpu.dma_semaphore, #tpu.memory_space<semaphore_mem>>) src(%dma_wait3A_60 : memref<40000x64xf32, #tpu.memory_space<hbm>>) dst(%arg9 : memref<128x64xf32, #tpu.memory_space<vmem>>)
      "tpu.region"() ({
        %run_scoped3A = tpu.sem_alloc : memref<!tpu.dma_semaphore, #tpu.memory_space<semaphore_mem>>
        %dma_start3A_75 = arith.constant 0 : i32
        %dma_start3A_76 = tpu.memref_slice %arg8[%add3A_47, %dma_start3A_75] : memref<160x128xi32, #tpu.memory_space<vmem>> -> memref<1x128xi32, #tpu.memory_space<vmem>>
        %dma_start3A_77 = tpu.memref_squeeze %dma_start3A_76 : memref<1x128xi32, #tpu.memory_space<vmem>> -> memref<128xi32, #tpu.memory_space<vmem>>
        %dma_start3A_78 = arith.constant 0 : i32
        %dma_start3A_79 = arith.constant 0 : i32
        %dma_start3A_80 = tpu.memref_slice %arg11[%dma_start3A_78, %dma_start3A_79] : memref<10240x64xf32, #tpu.memory_space<vmem_shared>> -> memref<10240x64xf32, #tpu.memory_space<vmem_shared>>
        tpu.enqueue_indirect_dma source(%arg9 : memref<128x64xf32, #tpu.memory_space<vmem>>) target(%dma_start3A_80 : memref<10240x64xf32, #tpu.memory_space<vmem_shared>>) offsets(%dma_start3A_77 : memref<128xi32, #tpu.memory_space<vmem>>) semaphore(%run_scoped3A : memref<!tpu.dma_semaphore, #tpu.memory_space<semaphore_mem>>) {add = true}
        %dma_wait3A_81 = arith.constant 0 : i32
        %dma_wait3A_82 = tpu.memref_slice %arg8[%add3A_47, %dma_wait3A_81] : memref<160x128xi32, #tpu.memory_space<vmem>> -> memref<1x128xi32, #tpu.memory_space<vmem>>
        %dma_wait3A_83 = tpu.memref_squeeze %dma_wait3A_82 : memref<1x128xi32, #tpu.memory_space<vmem>> -> memref<128xi32, #tpu.memory_space<vmem>>
        %dma_wait3A_84 = arith.constant 0 : i32
        %dma_wait3A_85 = arith.constant 0 : i32
        %dma_wait3A_86 = tpu.memref_slice %arg11[%dma_wait3A_84, %dma_wait3A_85] : memref<10240x64xf32, #tpu.memory_space<vmem_shared>> -> memref<10240x64xf32, #tpu.memory_space<vmem_shared>>
        tpu.wait_indirect_dma semaphore(%run_scoped3A : memref<!tpu.dma_semaphore, #tpu.memory_space<semaphore_mem>>) src(%arg9 : memref<128x64xf32, #tpu.memory_space<vmem>>) dst(%dma_wait3A_86 : memref<10240x64xf32, #tpu.memory_space<vmem_shared>>)
        tpu.yield
      }) : () -> ()
      %add3A_61 = arith.constant 2 : i32
      %add3A_62 = arith.addi %add3A_47, %add3A_61 : i32
      %lt3A = arith.constant 160 : i32
      %lt3A_63 = arith.cmpi slt, %add3A_62, %lt3A : i32
      %convert_element_type3A = arith.extui %lt3A_63 : i1 to i32
      %cond3A = arith.constant 0 : i32
      %cond3A_64 = arith.cmpi ne, %convert_element_type3A, %cond3A : i32
      scf.if %cond3A_64 {
        %add3A_75 = arith.constant 2 : i32
        %add3A_76 = arith.addi %add3A_47, %add3A_75 : i32
        %dma_start3A_77 = arith.constant 0 : i32
        %dma_start3A_78 = tpu.memref_slice %arg7[%add3A_76, %dma_start3A_77] : memref<160x128xi32, #tpu.memory_space<vmem>> -> memref<1x128xi32, #tpu.memory_space<vmem>>
        %dma_start3A_79 = tpu.memref_squeeze %dma_start3A_78 : memref<1x128xi32, #tpu.memory_space<vmem>> -> memref<128xi32, #tpu.memory_space<vmem>>
        %dma_start3A_80 = arith.constant 0 : i32
        %dma_start3A_81 = arith.constant 0 : i32
        %dma_start3A_82 = tpu.memref_slice %arg2[%dma_start3A_80, %dma_start3A_81] : memref<40000x64xf32, #tpu.memory_space<hbm>> -> memref<40000x64xf32, #tpu.memory_space<hbm>>
        tpu.enqueue_indirect_dma source(%dma_start3A_82 : memref<40000x64xf32, #tpu.memory_space<hbm>>) target(%arg9 : memref<128x64xf32, #tpu.memory_space<vmem>>) offsets(%dma_start3A_79 : memref<128xi32, #tpu.memory_space<vmem>>) semaphore(%arg12 : memref<!tpu.dma_semaphore, #tpu.memory_space<semaphore_mem>>)
      } else {
      }
      %add3A_65 = arith.constant 1 : i32
      %add3A_66 = arith.addi %add3A_47, %add3A_65 : i32
      %dma_wait3A_67 = arith.constant 0 : i32
      %dma_wait3A_68 = tpu.memref_slice %arg7[%add3A_66, %dma_wait3A_67] : memref<160x128xi32, #tpu.memory_space<vmem>> -> memref<1x128xi32, #tpu.memory_space<vmem>>
      %dma_wait3A_69 = tpu.memref_squeeze %dma_wait3A_68 : memref<1x128xi32, #tpu.memory_space<vmem>> -> memref<128xi32, #tpu.memory_space<vmem>>
      %dma_wait3A_70 = arith.constant 0 : i32
      %dma_wait3A_71 = arith.constant 0 : i32
      %dma_wait3A_72 = tpu.memref_slice %arg2[%dma_wait3A_70, %dma_wait3A_71] : memref<40000x64xf32, #tpu.memory_space<hbm>> -> memref<40000x64xf32, #tpu.memory_space<hbm>>
      tpu.wait_indirect_dma semaphore(%arg13 : memref<!tpu.dma_semaphore, #tpu.memory_space<semaphore_mem>>) src(%dma_wait3A_72 : memref<40000x64xf32, #tpu.memory_space<hbm>>) dst(%arg10 : memref<128x64xf32, #tpu.memory_space<vmem>>)
      %add3A_73 = arith.constant 1 : i32
      %add3A_74 = arith.addi %add3A_47, %add3A_73 : i32
      "tpu.region"() ({
        %run_scoped3A = tpu.sem_alloc : memref<!tpu.dma_semaphore, #tpu.memory_space<semaphore_mem>>
        %dma_start3A_75 = arith.constant 0 : i32
        %dma_start3A_76 = tpu.memref_slice %arg8[%add3A_74, %dma_start3A_75] : memref<160x128xi32, #tpu.memory_space<vmem>> -> memref<1x128xi32, #tpu.memory_space<vmem>>
        %dma_start3A_77 = tpu.memref_squeeze %dma_start3A_76 : memref<1x128xi32, #tpu.memory_space<vmem>> -> memref<128xi32, #tpu.memory_space<vmem>>
        %dma_start3A_78 = arith.constant 0 : i32
        %dma_start3A_79 = arith.constant 0 : i32
        %dma_start3A_80 = tpu.memref_slice %arg11[%dma_start3A_78, %dma_start3A_79] : memref<10240x64xf32, #tpu.memory_space<vmem_shared>> -> memref<10240x64xf32, #tpu.memory_space<vmem_shared>>
        tpu.enqueue_indirect_dma source(%arg10 : memref<128x64xf32, #tpu.memory_space<vmem>>) target(%dma_start3A_80 : memref<10240x64xf32, #tpu.memory_space<vmem_shared>>) offsets(%dma_start3A_77 : memref<128xi32, #tpu.memory_space<vmem>>) semaphore(%run_scoped3A : memref<!tpu.dma_semaphore, #tpu.memory_space<semaphore_mem>>) {add = true}
        %dma_wait3A_81 = arith.constant 0 : i32
        %dma_wait3A_82 = tpu.memref_slice %arg8[%add3A_74, %dma_wait3A_81] : memref<160x128xi32, #tpu.memory_space<vmem>> -> memref<1x128xi32, #tpu.memory_space<vmem>>
        %dma_wait3A_83 = tpu.memref_squeeze %dma_wait3A_82 : memref<1x128xi32, #tpu.memory_space<vmem>> -> memref<128xi32, #tpu.memory_space<vmem>>
        %dma_wait3A_84 = arith.constant 0 : i32
        %dma_wait3A_85 = arith.constant 0 : i32
        %dma_wait3A_86 = tpu.memref_slice %arg11[%dma_wait3A_84, %dma_wait3A_85] : memref<10240x64xf32, #tpu.memory_space<vmem_shared>> -> memref<10240x64xf32, #tpu.memory_space<vmem_shared>>
        tpu.wait_indirect_dma semaphore(%run_scoped3A : memref<!tpu.dma_semaphore, #tpu.memory_space<semaphore_mem>>) src(%arg10 : memref<128x64xf32, #tpu.memory_space<vmem>>) dst(%dma_wait3A_86 : memref<10240x64xf32, #tpu.memory_space<vmem_shared>>)
        tpu.yield
      }) : () -> ()
    }
    %scan3A_36 = arith.constant 80 : i32
    %barrier3A_37 = arith.constant 0 : index
    tpu.barrier barrier_id(%barrier3A_37)
    %mul3A_38 = arith.constant 2 : i32
    %mul3A_39 = arith.muli %arg0, %mul3A_38 : i32
    %add3A_40 = arith.constant 1 : i32
    %add3A_41 = arith.addi %mul3A_39, %add3A_40 : i32
    "tpu.region"() ({
      %run_scoped3A = tpu.sem_alloc : memref<!tpu.dma_semaphore, #tpu.memory_space<semaphore_mem>>
      %dma_start3A_43 = arith.constant 0 : i32
      %dma_start3A_44 = tpu.memref_slice %arg6[%add3A_41, %mul3A_0, %dma_start3A_43] : memref<4x10240x64xf32, #tpu.memory_space<hbm>> -> memref<1x640x64xf32, #tpu.memory_space<hbm>>
      %dma_start3A_45 = tpu.memref_squeeze %dma_start3A_44 : memref<1x640x64xf32, #tpu.memory_space<hbm>> -> memref<640x64xf32, #tpu.memory_space<hbm>>
      %dma_start3A_46 = arith.constant 0 : i32
      %dma_start3A_47 = tpu.memref_slice %arg11[%mul3A_0, %dma_start3A_46] : memref<10240x64xf32, #tpu.memory_space<vmem_shared>> -> memref<640x64xf32, #tpu.memory_space<vmem_shared>>
      tpu.enqueue_dma source(%dma_start3A_47 : memref<640x64xf32, #tpu.memory_space<vmem_shared>>) target(%dma_start3A_45 : memref<640x64xf32, #tpu.memory_space<hbm>>) target_semaphore(%run_scoped3A : memref<!tpu.dma_semaphore, #tpu.memory_space<semaphore_mem>>)
      %dma_wait3A = arith.constant 0 : i32
      %dma_wait3A_48 = tpu.memref_slice %arg6[%add3A_41, %mul3A_0, %dma_wait3A] : memref<4x10240x64xf32, #tpu.memory_space<hbm>> -> memref<1x640x64xf32, #tpu.memory_space<hbm>>
      %dma_wait3A_49 = tpu.memref_squeeze %dma_wait3A_48 : memref<1x640x64xf32, #tpu.memory_space<hbm>> -> memref<640x64xf32, #tpu.memory_space<hbm>>
      %dma_wait3A_50 = arith.constant 0 : i32
      %dma_wait3A_51 = tpu.memref_slice %arg11[%mul3A_0, %dma_wait3A_50] : memref<10240x64xf32, #tpu.memory_space<vmem_shared>> -> memref<640x64xf32, #tpu.memory_space<vmem_shared>>
      tpu.wait_dma2 semaphore(%run_scoped3A : memref<!tpu.dma_semaphore, #tpu.memory_space<semaphore_mem>>) src(%dma_wait3A_51 : memref<640x64xf32, #tpu.memory_space<vmem_shared>>) dst(%dma_wait3A_49 : memref<640x64xf32, #tpu.memory_space<hbm>>)
      tpu.yield
    }) : () -> ()
    %barrier3A_42 = arith.constant 0 : index
    tpu.barrier barrier_id(%barrier3A_42)
    return
  }
}

#map = affine_map<(d0, d1) -> (0, 0)>
#map1 = affine_map<(d0, d1) -> (0, 0, 0, 0)>
#map2 = affine_map<(d0, d1) -> (0, 0, 0)>
module attributes {stable_mosaic.version = 14 : i64} {
  func.func @_sc_agg1_body(%arg0: i32, %arg1: i32, %arg2: memref<20000x64xf32, #tpu.memory_space<hbm>>, %arg3: memref<2x16x160x128xi32, #tpu.memory_space<hbm>>, %arg4: memref<16x160x128xi32, #tpu.memory_space<hbm>>, %arg5: memref<640x64xf32, #tpu.memory_space<hbm>>, %arg6: memref<640x16xf32, #tpu.memory_space<hbm>>, %arg7: memref<128x16xf32, #tpu.memory_space<hbm>>, %arg8: memref<2x10240x64xf32, #tpu.memory_space<hbm>>, %arg9: memref<10240x16xf32, #tpu.memory_space<hbm>>, %arg10: memref<160x128xi32, #tpu.memory_space<vmem>>, %arg11: memref<160x128xi32, #tpu.memory_space<vmem>>, %arg12: memref<128x64xf32, #tpu.memory_space<vmem>>, %arg13: memref<128x64xf32, #tpu.memory_space<vmem>>, %arg14: memref<128x16xf32, #tpu.memory_space<vmem>>, %arg15: memref<10240x64xf32, #tpu.memory_space<vmem_shared>>, %arg16: memref<10240x16xf32, #tpu.memory_space<vmem_shared>>, %arg17: memref<!tpu.dma_semaphore, #tpu.memory_space<semaphore_mem>>, %arg18: memref<!tpu.dma_semaphore, #tpu.memory_space<semaphore_mem>>) attributes {dimension_semantics = [#tpu.dimension_semantics<core_parallel>, #tpu.dimension_semantics<subcore_parallel>], iteration_bounds = array<i64: 2, 16>, scalar_prefetch = 0 : i64, scratch_operands = 9 : i64, tpu.core_type = #tpu.core_type<sc_vector_subcore>, window_params = [{transform_indices = #map}, {transform_indices = #map1}, {transform_indices = #map2}, {transform_indices = #map}, {transform_indices = #map}, {transform_indices = #map}, {transform_indices = #map2}, {transform_indices = #map}]} {
    %mul3A = arith.constant 640 : i32
    %mul3A_0 = arith.muli %arg1, %mul3A : i32
    "tpu.region"() ({
      %run_scoped3A = tpu.sem_alloc : memref<!tpu.dma_semaphore, #tpu.memory_space<semaphore_mem>>
      %dma_start3A_14 = arith.constant 0 : i32
      %dma_start3A_15 = tpu.memref_slice %arg15[%mul3A_0, %dma_start3A_14] : memref<10240x64xf32, #tpu.memory_space<vmem_shared>> -> memref<640x64xf32, #tpu.memory_space<vmem_shared>>
      tpu.enqueue_dma source(%arg5 : memref<640x64xf32, #tpu.memory_space<hbm>>) target(%dma_start3A_15 : memref<640x64xf32, #tpu.memory_space<vmem_shared>>) target_semaphore(%run_scoped3A : memref<!tpu.dma_semaphore, #tpu.memory_space<semaphore_mem>>)
      %dma_wait3A = arith.constant 0 : i32
      %dma_wait3A_16 = tpu.memref_slice %arg15[%mul3A_0, %dma_wait3A] : memref<10240x64xf32, #tpu.memory_space<vmem_shared>> -> memref<640x64xf32, #tpu.memory_space<vmem_shared>>
      tpu.wait_dma2 semaphore(%run_scoped3A : memref<!tpu.dma_semaphore, #tpu.memory_space<semaphore_mem>>) src(%arg5 : memref<640x64xf32, #tpu.memory_space<hbm>>) dst(%dma_wait3A_16 : memref<640x64xf32, #tpu.memory_space<vmem_shared>>)
      tpu.yield
    }) : () -> ()
    "tpu.region"() ({
      %run_scoped3A = tpu.sem_alloc : memref<!tpu.dma_semaphore, #tpu.memory_space<semaphore_mem>>
      %dma_start3A_14 = arith.constant 0 : i32
      %dma_start3A_15 = tpu.memref_slice %arg16[%mul3A_0, %dma_start3A_14] : memref<10240x16xf32, #tpu.memory_space<vmem_shared>> -> memref<640x16xf32, #tpu.memory_space<vmem_shared>>
      tpu.enqueue_dma source(%arg6 : memref<640x16xf32, #tpu.memory_space<hbm>>) target(%dma_start3A_15 : memref<640x16xf32, #tpu.memory_space<vmem_shared>>) target_semaphore(%run_scoped3A : memref<!tpu.dma_semaphore, #tpu.memory_space<semaphore_mem>>)
      %dma_wait3A = arith.constant 0 : i32
      %dma_wait3A_16 = tpu.memref_slice %arg16[%mul3A_0, %dma_wait3A] : memref<10240x16xf32, #tpu.memory_space<vmem_shared>> -> memref<640x16xf32, #tpu.memory_space<vmem_shared>>
      tpu.wait_dma2 semaphore(%run_scoped3A : memref<!tpu.dma_semaphore, #tpu.memory_space<semaphore_mem>>) src(%arg6 : memref<640x16xf32, #tpu.memory_space<hbm>>) dst(%dma_wait3A_16 : memref<640x16xf32, #tpu.memory_space<vmem_shared>>)
      tpu.yield
    }) : () -> ()
    "tpu.region"() ({
      %run_scoped3A = tpu.sem_alloc : memref<!tpu.dma_semaphore, #tpu.memory_space<semaphore_mem>>
      %dma_start3A_14 = arith.constant 0 : i32
      %dma_start3A_15 = arith.constant 0 : i32
      %dma_start3A_16 = tpu.memref_slice %arg3[%arg0, %arg1, %dma_start3A_14, %dma_start3A_15] : memref<2x16x160x128xi32, #tpu.memory_space<hbm>> -> memref<1x1x160x128xi32, #tpu.memory_space<hbm>>
      %dma_start3A_17 = tpu.memref_squeeze %dma_start3A_16 : memref<1x1x160x128xi32, #tpu.memory_space<hbm>> -> memref<160x128xi32, #tpu.memory_space<hbm>>
      %dma_start3A_18 = arith.constant 0 : i32
      %dma_start3A_19 = arith.constant 0 : i32
      %dma_start3A_20 = tpu.memref_slice %arg3[%arg0, %arg1, %dma_start3A_18, %dma_start3A_19] : memref<2x16x160x128xi32, #tpu.memory_space<hbm>> -> memref<1x1x160x128xi32, #tpu.memory_space<hbm>>
      %dma_start3A_21 = tpu.memref_squeeze %dma_start3A_20 : memref<1x1x160x128xi32, #tpu.memory_space<hbm>> -> memref<160x128xi32, #tpu.memory_space<hbm>>
      tpu.enqueue_dma source(%dma_start3A_21 : memref<160x128xi32, #tpu.memory_space<hbm>>) target(%arg10 : memref<160x128xi32, #tpu.memory_space<vmem>>) target_semaphore(%run_scoped3A : memref<!tpu.dma_semaphore, #tpu.memory_space<semaphore_mem>>)
      %dma_wait3A = arith.constant 0 : i32
      %dma_wait3A_22 = arith.constant 0 : i32
      %dma_wait3A_23 = tpu.memref_slice %arg3[%arg0, %arg1, %dma_wait3A, %dma_wait3A_22] : memref<2x16x160x128xi32, #tpu.memory_space<hbm>> -> memref<1x1x160x128xi32, #tpu.memory_space<hbm>>
      %dma_wait3A_24 = tpu.memref_squeeze %dma_wait3A_23 : memref<1x1x160x128xi32, #tpu.memory_space<hbm>> -> memref<160x128xi32, #tpu.memory_space<hbm>>
      %dma_wait3A_25 = arith.constant 0 : i32
      %dma_wait3A_26 = arith.constant 0 : i32
      %dma_wait3A_27 = tpu.memref_slice %arg3[%arg0, %arg1, %dma_wait3A_25, %dma_wait3A_26] : memref<2x16x160x128xi32, #tpu.memory_space<hbm>> -> memref<1x1x160x128xi32, #tpu.memory_space<hbm>>
      %dma_wait3A_28 = tpu.memref_squeeze %dma_wait3A_27 : memref<1x1x160x128xi32, #tpu.memory_space<hbm>> -> memref<160x128xi32, #tpu.memory_space<hbm>>
      tpu.wait_dma2 semaphore(%run_scoped3A : memref<!tpu.dma_semaphore, #tpu.memory_space<semaphore_mem>>) src(%dma_wait3A_28 : memref<160x128xi32, #tpu.memory_space<hbm>>) dst(%arg10 : memref<160x128xi32, #tpu.memory_space<vmem>>)
      tpu.yield
    }) : () -> ()
    "tpu.region"() ({
      %run_scoped3A = tpu.sem_alloc : memref<!tpu.dma_semaphore, #tpu.memory_space<semaphore_mem>>
      %dma_start3A_14 = arith.constant 0 : i32
      %dma_start3A_15 = arith.constant 0 : i32
      %dma_start3A_16 = tpu.memref_slice %arg4[%arg1, %dma_start3A_14, %dma_start3A_15] : memref<16x160x128xi32, #tpu.memory_space<hbm>> -> memref<1x160x128xi32, #tpu.memory_space<hbm>>
      %dma_start3A_17 = tpu.memref_squeeze %dma_start3A_16 : memref<1x160x128xi32, #tpu.memory_space<hbm>> -> memref<160x128xi32, #tpu.memory_space<hbm>>
      %dma_start3A_18 = arith.constant 0 : i32
      %dma_start3A_19 = arith.constant 0 : i32
      %dma_start3A_20 = tpu.memref_slice %arg4[%arg1, %dma_start3A_18, %dma_start3A_19] : memref<16x160x128xi32, #tpu.memory_space<hbm>> -> memref<1x160x128xi32, #tpu.memory_space<hbm>>
      %dma_start3A_21 = tpu.memref_squeeze %dma_start3A_20 : memref<1x160x128xi32, #tpu.memory_space<hbm>> -> memref<160x128xi32, #tpu.memory_space<hbm>>
      tpu.enqueue_dma source(%dma_start3A_21 : memref<160x128xi32, #tpu.memory_space<hbm>>) target(%arg11 : memref<160x128xi32, #tpu.memory_space<vmem>>) target_semaphore(%run_scoped3A : memref<!tpu.dma_semaphore, #tpu.memory_space<semaphore_mem>>)
      %dma_wait3A = arith.constant 0 : i32
      %dma_wait3A_22 = arith.constant 0 : i32
      %dma_wait3A_23 = tpu.memref_slice %arg4[%arg1, %dma_wait3A, %dma_wait3A_22] : memref<16x160x128xi32, #tpu.memory_space<hbm>> -> memref<1x160x128xi32, #tpu.memory_space<hbm>>
      %dma_wait3A_24 = tpu.memref_squeeze %dma_wait3A_23 : memref<1x160x128xi32, #tpu.memory_space<hbm>> -> memref<160x128xi32, #tpu.memory_space<hbm>>
      %dma_wait3A_25 = arith.constant 0 : i32
      %dma_wait3A_26 = arith.constant 0 : i32
      %dma_wait3A_27 = tpu.memref_slice %arg4[%arg1, %dma_wait3A_25, %dma_wait3A_26] : memref<16x160x128xi32, #tpu.memory_space<hbm>> -> memref<1x160x128xi32, #tpu.memory_space<hbm>>
      %dma_wait3A_28 = tpu.memref_squeeze %dma_wait3A_27 : memref<1x160x128xi32, #tpu.memory_space<hbm>> -> memref<160x128xi32, #tpu.memory_space<hbm>>
      tpu.wait_dma2 semaphore(%run_scoped3A : memref<!tpu.dma_semaphore, #tpu.memory_space<semaphore_mem>>) src(%dma_wait3A_28 : memref<160x128xi32, #tpu.memory_space<hbm>>) dst(%arg11 : memref<160x128xi32, #tpu.memory_space<vmem>>)
      tpu.yield
    }) : () -> ()
    "tpu.region"() ({
      %run_scoped3A = tpu.sem_alloc : memref<!tpu.dma_semaphore, #tpu.memory_space<semaphore_mem>>
      tpu.enqueue_dma source(%arg7 : memref<128x16xf32, #tpu.memory_space<hbm>>) target(%arg14 : memref<128x16xf32, #tpu.memory_space<vmem>>) target_semaphore(%run_scoped3A : memref<!tpu.dma_semaphore, #tpu.memory_space<semaphore_mem>>)
      tpu.wait_dma2 semaphore(%run_scoped3A : memref<!tpu.dma_semaphore, #tpu.memory_space<semaphore_mem>>) src(%arg7 : memref<128x16xf32, #tpu.memory_space<hbm>>) dst(%arg14 : memref<128x16xf32, #tpu.memory_space<vmem>>)
      tpu.yield
    }) : () -> ()
    %barrier3A = arith.constant 0 : index
    tpu.barrier barrier_id(%barrier3A)
    %dma_start3A = arith.constant 0 : i32
    %dma_start3A_1 = arith.constant 0 : i32
    %dma_start3A_2 = tpu.memref_slice %arg10[%dma_start3A, %dma_start3A_1] : memref<160x128xi32, #tpu.memory_space<vmem>> -> memref<1x128xi32, #tpu.memory_space<vmem>>
    %dma_start3A_3 = tpu.memref_squeeze %dma_start3A_2 : memref<1x128xi32, #tpu.memory_space<vmem>> -> memref<128xi32, #tpu.memory_space<vmem>>
    %dma_start3A_4 = arith.constant 0 : i32
    %dma_start3A_5 = arith.constant 0 : i32
    %dma_start3A_6 = tpu.memref_slice %arg2[%dma_start3A_4, %dma_start3A_5] : memref<20000x64xf32, #tpu.memory_space<hbm>> -> memref<20000x64xf32, #tpu.memory_space<hbm>>
    tpu.enqueue_indirect_dma source(%dma_start3A_6 : memref<20000x64xf32, #tpu.memory_space<hbm>>) target(%arg12 : memref<128x64xf32, #tpu.memory_space<vmem>>) offsets(%dma_start3A_3 : memref<128xi32, #tpu.memory_space<vmem>>) semaphore(%arg17 : memref<!tpu.dma_semaphore, #tpu.memory_space<semaphore_mem>>)
    %scan3A = arith.constant 0 : i32
    %scan3A_7 = arith.constant 80 : i32
    %scan3A_8 = arith.addi %scan3A, %scan3A_7 : i32
    %scan3A_9 = arith.constant 1 : i32
    scf.for %scan3A_14 = %scan3A to %scan3A_8 step %scan3A_9  : i32 {
      %mul3A_15 = arith.constant 2 : i32
      %mul3A_16 = arith.muli %scan3A_14, %mul3A_15 : i32
      %add3A = arith.constant 0 : i32
      %add3A_17 = arith.addi %add3A, %mul3A_16 : i32
      %add3A_18 = arith.constant 1 : i32
      %add3A_19 = arith.addi %add3A_17, %add3A_18 : i32
      %dma_start3A_20 = arith.constant 0 : i32
      %dma_start3A_21 = tpu.memref_slice %arg10[%add3A_19, %dma_start3A_20] : memref<160x128xi32, #tpu.memory_space<vmem>> -> memref<1x128xi32, #tpu.memory_space<vmem>>
      %dma_start3A_22 = tpu.memref_squeeze %dma_start3A_21 : memref<1x128xi32, #tpu.memory_space<vmem>> -> memref<128xi32, #tpu.memory_space<vmem>>
      %dma_start3A_23 = arith.constant 0 : i32
      %dma_start3A_24 = arith.constant 0 : i32
      %dma_start3A_25 = tpu.memref_slice %arg2[%dma_start3A_23, %dma_start3A_24] : memref<20000x64xf32, #tpu.memory_space<hbm>> -> memref<20000x64xf32, #tpu.memory_space<hbm>>
      tpu.enqueue_indirect_dma source(%dma_start3A_25 : memref<20000x64xf32, #tpu.memory_space<hbm>>) target(%arg13 : memref<128x64xf32, #tpu.memory_space<vmem>>) offsets(%dma_start3A_22 : memref<128xi32, #tpu.memory_space<vmem>>) semaphore(%arg18 : memref<!tpu.dma_semaphore, #tpu.memory_space<semaphore_mem>>)
      %dma_wait3A = arith.constant 0 : i32
      %dma_wait3A_26 = tpu.memref_slice %arg10[%add3A_17, %dma_wait3A] : memref<160x128xi32, #tpu.memory_space<vmem>> -> memref<1x128xi32, #tpu.memory_space<vmem>>
      %dma_wait3A_27 = tpu.memref_squeeze %dma_wait3A_26 : memref<1x128xi32, #tpu.memory_space<vmem>> -> memref<128xi32, #tpu.memory_space<vmem>>
      %dma_wait3A_28 = arith.constant 0 : i32
      %dma_wait3A_29 = arith.constant 0 : i32
      %dma_wait3A_30 = tpu.memref_slice %arg2[%dma_wait3A_28, %dma_wait3A_29] : memref<20000x64xf32, #tpu.memory_space<hbm>> -> memref<20000x64xf32, #tpu.memory_space<hbm>>
      tpu.wait_indirect_dma semaphore(%arg17 : memref<!tpu.dma_semaphore, #tpu.memory_space<semaphore_mem>>) src(%dma_wait3A_30 : memref<20000x64xf32, #tpu.memory_space<hbm>>) dst(%arg12 : memref<128x64xf32, #tpu.memory_space<vmem>>)
      "tpu.region"() ({
        %run_scoped3A = tpu.sem_alloc : memref<!tpu.dma_semaphore, #tpu.memory_space<semaphore_mem>>
        %dma_start3A_57 = arith.constant 0 : i32
        %dma_start3A_58 = tpu.memref_slice %arg11[%add3A_17, %dma_start3A_57] : memref<160x128xi32, #tpu.memory_space<vmem>> -> memref<1x128xi32, #tpu.memory_space<vmem>>
        %dma_start3A_59 = tpu.memref_squeeze %dma_start3A_58 : memref<1x128xi32, #tpu.memory_space<vmem>> -> memref<128xi32, #tpu.memory_space<vmem>>
        %dma_start3A_60 = arith.constant 0 : i32
        %dma_start3A_61 = arith.constant 0 : i32
        %dma_start3A_62 = tpu.memref_slice %arg15[%dma_start3A_60, %dma_start3A_61] : memref<10240x64xf32, #tpu.memory_space<vmem_shared>> -> memref<10240x64xf32, #tpu.memory_space<vmem_shared>>
        tpu.enqueue_indirect_dma source(%arg12 : memref<128x64xf32, #tpu.memory_space<vmem>>) target(%dma_start3A_62 : memref<10240x64xf32, #tpu.memory_space<vmem_shared>>) offsets(%dma_start3A_59 : memref<128xi32, #tpu.memory_space<vmem>>) semaphore(%run_scoped3A : memref<!tpu.dma_semaphore, #tpu.memory_space<semaphore_mem>>) {add = true}
        %dma_wait3A_63 = arith.constant 0 : i32
        %dma_wait3A_64 = tpu.memref_slice %arg11[%add3A_17, %dma_wait3A_63] : memref<160x128xi32, #tpu.memory_space<vmem>> -> memref<1x128xi32, #tpu.memory_space<vmem>>
        %dma_wait3A_65 = tpu.memref_squeeze %dma_wait3A_64 : memref<1x128xi32, #tpu.memory_space<vmem>> -> memref<128xi32, #tpu.memory_space<vmem>>
        %dma_wait3A_66 = arith.constant 0 : i32
        %dma_wait3A_67 = arith.constant 0 : i32
        %dma_wait3A_68 = tpu.memref_slice %arg15[%dma_wait3A_66, %dma_wait3A_67] : memref<10240x64xf32, #tpu.memory_space<vmem_shared>> -> memref<10240x64xf32, #tpu.memory_space<vmem_shared>>
        tpu.wait_indirect_dma semaphore(%run_scoped3A : memref<!tpu.dma_semaphore, #tpu.memory_space<semaphore_mem>>) src(%arg12 : memref<128x64xf32, #tpu.memory_space<vmem>>) dst(%dma_wait3A_68 : memref<10240x64xf32, #tpu.memory_space<vmem_shared>>)
        tpu.yield
      }) : () -> ()
      %eq3A_31 = arith.constant 0 : i32
      %eq3A_32 = arith.cmpi eq, %arg0, %eq3A_31 : i32
      %convert_element_type3A_33 = arith.extui %eq3A_32 : i1 to i32
      %cond3A_34 = arith.constant 0 : i32
      %cond3A_35 = arith.cmpi ne, %convert_element_type3A_33, %cond3A_34 : i32
      scf.if %cond3A_35 {
        "tpu.region"() ({
          %run_scoped3A = tpu.sem_alloc : memref<!tpu.dma_semaphore, #tpu.memory_space<semaphore_mem>>
          %dma_start3A_57 = arith.constant 0 : i32
          %dma_start3A_58 = tpu.memref_slice %arg11[%add3A_17, %dma_start3A_57] : memref<160x128xi32, #tpu.memory_space<vmem>> -> memref<1x128xi32, #tpu.memory_space<vmem>>
          %dma_start3A_59 = tpu.memref_squeeze %dma_start3A_58 : memref<1x128xi32, #tpu.memory_space<vmem>> -> memref<128xi32, #tpu.memory_space<vmem>>
          %dma_start3A_60 = arith.constant 0 : i32
          %dma_start3A_61 = arith.constant 0 : i32
          %dma_start3A_62 = tpu.memref_slice %arg16[%dma_start3A_60, %dma_start3A_61] : memref<10240x16xf32, #tpu.memory_space<vmem_shared>> -> memref<10240x16xf32, #tpu.memory_space<vmem_shared>>
          tpu.enqueue_indirect_dma source(%arg14 : memref<128x16xf32, #tpu.memory_space<vmem>>) target(%dma_start3A_62 : memref<10240x16xf32, #tpu.memory_space<vmem_shared>>) offsets(%dma_start3A_59 : memref<128xi32, #tpu.memory_space<vmem>>) semaphore(%run_scoped3A : memref<!tpu.dma_semaphore, #tpu.memory_space<semaphore_mem>>) {add = true}
          %dma_wait3A_63 = arith.constant 0 : i32
          %dma_wait3A_64 = tpu.memref_slice %arg11[%add3A_17, %dma_wait3A_63] : memref<160x128xi32, #tpu.memory_space<vmem>> -> memref<1x128xi32, #tpu.memory_space<vmem>>
          %dma_wait3A_65 = tpu.memref_squeeze %dma_wait3A_64 : memref<1x128xi32, #tpu.memory_space<vmem>> -> memref<128xi32, #tpu.memory_space<vmem>>
          %dma_wait3A_66 = arith.constant 0 : i32
          %dma_wait3A_67 = arith.constant 0 : i32
          %dma_wait3A_68 = tpu.memref_slice %arg16[%dma_wait3A_66, %dma_wait3A_67] : memref<10240x16xf32, #tpu.memory_space<vmem_shared>> -> memref<10240x16xf32, #tpu.memory_space<vmem_shared>>
          tpu.wait_indirect_dma semaphore(%run_scoped3A : memref<!tpu.dma_semaphore, #tpu.memory_space<semaphore_mem>>) src(%arg14 : memref<128x16xf32, #tpu.memory_space<vmem>>) dst(%dma_wait3A_68 : memref<10240x16xf32, #tpu.memory_space<vmem_shared>>)
          tpu.yield
        }) : () -> ()
      } else {
      }
      %add3A_36 = arith.constant 2 : i32
      %add3A_37 = arith.addi %add3A_17, %add3A_36 : i32
      %lt3A = arith.constant 160 : i32
      %lt3A_38 = arith.cmpi slt, %add3A_37, %lt3A : i32
      %convert_element_type3A_39 = arith.extui %lt3A_38 : i1 to i32
      %cond3A_40 = arith.constant 0 : i32
      %cond3A_41 = arith.cmpi ne, %convert_element_type3A_39, %cond3A_40 : i32
      scf.if %cond3A_41 {
        %add3A_57 = arith.constant 2 : i32
        %add3A_58 = arith.addi %add3A_17, %add3A_57 : i32
        %dma_start3A_59 = arith.constant 0 : i32
        %dma_start3A_60 = tpu.memref_slice %arg10[%add3A_58, %dma_start3A_59] : memref<160x128xi32, #tpu.memory_space<vmem>> -> memref<1x128xi32, #tpu.memory_space<vmem>>
        %dma_start3A_61 = tpu.memref_squeeze %dma_start3A_60 : memref<1x128xi32, #tpu.memory_space<vmem>> -> memref<128xi32, #tpu.memory_space<vmem>>
        %dma_start3A_62 = arith.constant 0 : i32
        %dma_start3A_63 = arith.constant 0 : i32
        %dma_start3A_64 = tpu.memref_slice %arg2[%dma_start3A_62, %dma_start3A_63] : memref<20000x64xf32, #tpu.memory_space<hbm>> -> memref<20000x64xf32, #tpu.memory_space<hbm>>
        tpu.enqueue_indirect_dma source(%dma_start3A_64 : memref<20000x64xf32, #tpu.memory_space<hbm>>) target(%arg12 : memref<128x64xf32, #tpu.memory_space<vmem>>) offsets(%dma_start3A_61 : memref<128xi32, #tpu.memory_space<vmem>>) semaphore(%arg17 : memref<!tpu.dma_semaphore, #tpu.memory_space<semaphore_mem>>)
      } else {
      }
      %add3A_42 = arith.constant 1 : i32
      %add3A_43 = arith.addi %add3A_17, %add3A_42 : i32
      %dma_wait3A_44 = arith.constant 0 : i32
      %dma_wait3A_45 = tpu.memref_slice %arg10[%add3A_43, %dma_wait3A_44] : memref<160x128xi32, #tpu.memory_space<vmem>> -> memref<1x128xi32, #tpu.memory_space<vmem>>
      %dma_wait3A_46 = tpu.memref_squeeze %dma_wait3A_45 : memref<1x128xi32, #tpu.memory_space<vmem>> -> memref<128xi32, #tpu.memory_space<vmem>>
      %dma_wait3A_47 = arith.constant 0 : i32
      %dma_wait3A_48 = arith.constant 0 : i32
      %dma_wait3A_49 = tpu.memref_slice %arg2[%dma_wait3A_47, %dma_wait3A_48] : memref<20000x64xf32, #tpu.memory_space<hbm>> -> memref<20000x64xf32, #tpu.memory_space<hbm>>
      tpu.wait_indirect_dma semaphore(%arg18 : memref<!tpu.dma_semaphore, #tpu.memory_space<semaphore_mem>>) src(%dma_wait3A_49 : memref<20000x64xf32, #tpu.memory_space<hbm>>) dst(%arg13 : memref<128x64xf32, #tpu.memory_space<vmem>>)
      %add3A_50 = arith.constant 1 : i32
      %add3A_51 = arith.addi %add3A_17, %add3A_50 : i32
      "tpu.region"() ({
        %run_scoped3A = tpu.sem_alloc : memref<!tpu.dma_semaphore, #tpu.memory_space<semaphore_mem>>
        %dma_start3A_57 = arith.constant 0 : i32
        %dma_start3A_58 = tpu.memref_slice %arg11[%add3A_51, %dma_start3A_57] : memref<160x128xi32, #tpu.memory_space<vmem>> -> memref<1x128xi32, #tpu.memory_space<vmem>>
        %dma_start3A_59 = tpu.memref_squeeze %dma_start3A_58 : memref<1x128xi32, #tpu.memory_space<vmem>> -> memref<128xi32, #tpu.memory_space<vmem>>
        %dma_start3A_60 = arith.constant 0 : i32
        %dma_start3A_61 = arith.constant 0 : i32
        %dma_start3A_62 = tpu.memref_slice %arg15[%dma_start3A_60, %dma_start3A_61] : memref<10240x64xf32, #tpu.memory_space<vmem_shared>> -> memref<10240x64xf32, #tpu.memory_space<vmem_shared>>
        tpu.enqueue_indirect_dma source(%arg13 : memref<128x64xf32, #tpu.memory_space<vmem>>) target(%dma_start3A_62 : memref<10240x64xf32, #tpu.memory_space<vmem_shared>>) offsets(%dma_start3A_59 : memref<128xi32, #tpu.memory_space<vmem>>) semaphore(%run_scoped3A : memref<!tpu.dma_semaphore, #tpu.memory_space<semaphore_mem>>) {add = true}
        %dma_wait3A_63 = arith.constant 0 : i32
        %dma_wait3A_64 = tpu.memref_slice %arg11[%add3A_51, %dma_wait3A_63] : memref<160x128xi32, #tpu.memory_space<vmem>> -> memref<1x128xi32, #tpu.memory_space<vmem>>
        %dma_wait3A_65 = tpu.memref_squeeze %dma_wait3A_64 : memref<1x128xi32, #tpu.memory_space<vmem>> -> memref<128xi32, #tpu.memory_space<vmem>>
        %dma_wait3A_66 = arith.constant 0 : i32
        %dma_wait3A_67 = arith.constant 0 : i32
        %dma_wait3A_68 = tpu.memref_slice %arg15[%dma_wait3A_66, %dma_wait3A_67] : memref<10240x64xf32, #tpu.memory_space<vmem_shared>> -> memref<10240x64xf32, #tpu.memory_space<vmem_shared>>
        tpu.wait_indirect_dma semaphore(%run_scoped3A : memref<!tpu.dma_semaphore, #tpu.memory_space<semaphore_mem>>) src(%arg13 : memref<128x64xf32, #tpu.memory_space<vmem>>) dst(%dma_wait3A_68 : memref<10240x64xf32, #tpu.memory_space<vmem_shared>>)
        tpu.yield
      }) : () -> ()
      %eq3A_52 = arith.constant 0 : i32
      %eq3A_53 = arith.cmpi eq, %arg0, %eq3A_52 : i32
      %convert_element_type3A_54 = arith.extui %eq3A_53 : i1 to i32
      %cond3A_55 = arith.constant 0 : i32
      %cond3A_56 = arith.cmpi ne, %convert_element_type3A_54, %cond3A_55 : i32
      scf.if %cond3A_56 {
        "tpu.region"() ({
          %run_scoped3A = tpu.sem_alloc : memref<!tpu.dma_semaphore, #tpu.memory_space<semaphore_mem>>
          %dma_start3A_57 = arith.constant 0 : i32
          %dma_start3A_58 = tpu.memref_slice %arg11[%add3A_51, %dma_start3A_57] : memref<160x128xi32, #tpu.memory_space<vmem>> -> memref<1x128xi32, #tpu.memory_space<vmem>>
          %dma_start3A_59 = tpu.memref_squeeze %dma_start3A_58 : memref<1x128xi32, #tpu.memory_space<vmem>> -> memref<128xi32, #tpu.memory_space<vmem>>
          %dma_start3A_60 = arith.constant 0 : i32
          %dma_start3A_61 = arith.constant 0 : i32
          %dma_start3A_62 = tpu.memref_slice %arg16[%dma_start3A_60, %dma_start3A_61] : memref<10240x16xf32, #tpu.memory_space<vmem_shared>> -> memref<10240x16xf32, #tpu.memory_space<vmem_shared>>
          tpu.enqueue_indirect_dma source(%arg14 : memref<128x16xf32, #tpu.memory_space<vmem>>) target(%dma_start3A_62 : memref<10240x16xf32, #tpu.memory_space<vmem_shared>>) offsets(%dma_start3A_59 : memref<128xi32, #tpu.memory_space<vmem>>) semaphore(%run_scoped3A : memref<!tpu.dma_semaphore, #tpu.memory_space<semaphore_mem>>) {add = true}
          %dma_wait3A_63 = arith.constant 0 : i32
          %dma_wait3A_64 = tpu.memref_slice %arg11[%add3A_51, %dma_wait3A_63] : memref<160x128xi32, #tpu.memory_space<vmem>> -> memref<1x128xi32, #tpu.memory_space<vmem>>
          %dma_wait3A_65 = tpu.memref_squeeze %dma_wait3A_64 : memref<1x128xi32, #tpu.memory_space<vmem>> -> memref<128xi32, #tpu.memory_space<vmem>>
          %dma_wait3A_66 = arith.constant 0 : i32
          %dma_wait3A_67 = arith.constant 0 : i32
          %dma_wait3A_68 = tpu.memref_slice %arg16[%dma_wait3A_66, %dma_wait3A_67] : memref<10240x16xf32, #tpu.memory_space<vmem_shared>> -> memref<10240x16xf32, #tpu.memory_space<vmem_shared>>
          tpu.wait_indirect_dma semaphore(%run_scoped3A : memref<!tpu.dma_semaphore, #tpu.memory_space<semaphore_mem>>) src(%arg14 : memref<128x16xf32, #tpu.memory_space<vmem>>) dst(%dma_wait3A_68 : memref<10240x16xf32, #tpu.memory_space<vmem_shared>>)
          tpu.yield
        }) : () -> ()
      } else {
      }
    }
    %scan3A_10 = arith.constant 80 : i32
    %barrier3A_11 = arith.constant 0 : index
    tpu.barrier barrier_id(%barrier3A_11)
    "tpu.region"() ({
      %run_scoped3A = tpu.sem_alloc : memref<!tpu.dma_semaphore, #tpu.memory_space<semaphore_mem>>
      %dma_start3A_14 = arith.constant 0 : i32
      %dma_start3A_15 = tpu.memref_slice %arg8[%arg0, %mul3A_0, %dma_start3A_14] : memref<2x10240x64xf32, #tpu.memory_space<hbm>> -> memref<1x640x64xf32, #tpu.memory_space<hbm>>
      %dma_start3A_16 = tpu.memref_squeeze %dma_start3A_15 : memref<1x640x64xf32, #tpu.memory_space<hbm>> -> memref<640x64xf32, #tpu.memory_space<hbm>>
      %dma_start3A_17 = arith.constant 0 : i32
      %dma_start3A_18 = tpu.memref_slice %arg15[%mul3A_0, %dma_start3A_17] : memref<10240x64xf32, #tpu.memory_space<vmem_shared>> -> memref<640x64xf32, #tpu.memory_space<vmem_shared>>
      tpu.enqueue_dma source(%dma_start3A_18 : memref<640x64xf32, #tpu.memory_space<vmem_shared>>) target(%dma_start3A_16 : memref<640x64xf32, #tpu.memory_space<hbm>>) target_semaphore(%run_scoped3A : memref<!tpu.dma_semaphore, #tpu.memory_space<semaphore_mem>>)
      %dma_wait3A = arith.constant 0 : i32
      %dma_wait3A_19 = tpu.memref_slice %arg8[%arg0, %mul3A_0, %dma_wait3A] : memref<2x10240x64xf32, #tpu.memory_space<hbm>> -> memref<1x640x64xf32, #tpu.memory_space<hbm>>
      %dma_wait3A_20 = tpu.memref_squeeze %dma_wait3A_19 : memref<1x640x64xf32, #tpu.memory_space<hbm>> -> memref<640x64xf32, #tpu.memory_space<hbm>>
      %dma_wait3A_21 = arith.constant 0 : i32
      %dma_wait3A_22 = tpu.memref_slice %arg15[%mul3A_0, %dma_wait3A_21] : memref<10240x64xf32, #tpu.memory_space<vmem_shared>> -> memref<640x64xf32, #tpu.memory_space<vmem_shared>>
      tpu.wait_dma2 semaphore(%run_scoped3A : memref<!tpu.dma_semaphore, #tpu.memory_space<semaphore_mem>>) src(%dma_wait3A_22 : memref<640x64xf32, #tpu.memory_space<vmem_shared>>) dst(%dma_wait3A_20 : memref<640x64xf32, #tpu.memory_space<hbm>>)
      tpu.yield
    }) : () -> ()
    %eq3A = arith.constant 0 : i32
    %eq3A_12 = arith.cmpi eq, %arg0, %eq3A : i32
    %convert_element_type3A = arith.extui %eq3A_12 : i1 to i32
    %cond3A = arith.constant 0 : i32
    %cond3A_13 = arith.cmpi ne, %convert_element_type3A, %cond3A : i32
    scf.if %cond3A_13 {
      "tpu.region"() ({
        %run_scoped3A = tpu.sem_alloc : memref<!tpu.dma_semaphore, #tpu.memory_space<semaphore_mem>>
        %dma_start3A_14 = arith.constant 0 : i32
        %dma_start3A_15 = tpu.memref_slice %arg9[%mul3A_0, %dma_start3A_14] : memref<10240x16xf32, #tpu.memory_space<hbm>> -> memref<640x16xf32, #tpu.memory_space<hbm>>
        %dma_start3A_16 = arith.constant 0 : i32
        %dma_start3A_17 = tpu.memref_slice %arg16[%mul3A_0, %dma_start3A_16] : memref<10240x16xf32, #tpu.memory_space<vmem_shared>> -> memref<640x16xf32, #tpu.memory_space<vmem_shared>>
        tpu.enqueue_dma source(%dma_start3A_17 : memref<640x16xf32, #tpu.memory_space<vmem_shared>>) target(%dma_start3A_15 : memref<640x16xf32, #tpu.memory_space<hbm>>) target_semaphore(%run_scoped3A : memref<!tpu.dma_semaphore, #tpu.memory_space<semaphore_mem>>)
        %dma_wait3A = arith.constant 0 : i32
        %dma_wait3A_18 = tpu.memref_slice %arg9[%mul3A_0, %dma_wait3A] : memref<10240x16xf32, #tpu.memory_space<hbm>> -> memref<640x16xf32, #tpu.memory_space<hbm>>
        %dma_wait3A_19 = arith.constant 0 : i32
        %dma_wait3A_20 = tpu.memref_slice %arg16[%mul3A_0, %dma_wait3A_19] : memref<10240x16xf32, #tpu.memory_space<vmem_shared>> -> memref<640x16xf32, #tpu.memory_space<vmem_shared>>
        tpu.wait_dma2 semaphore(%run_scoped3A : memref<!tpu.dma_semaphore, #tpu.memory_space<semaphore_mem>>) src(%dma_wait3A_20 : memref<640x16xf32, #tpu.memory_space<vmem_shared>>) dst(%dma_wait3A_18 : memref<640x16xf32, #tpu.memory_space<hbm>>)
        tpu.yield
      }) : () -> ()
    } else {
    }
    return
  }
}

module attributes {stable_mosaic.version = 14 : i64} {
  func.func @_tc_layer1_body(%arg0: i32, %arg1: memref<1000x128xf32, #tpu.memory_space<vmem>>, %arg2: memref<2x1000x64xf32, #tpu.memory_space<vmem>>, %arg3: memref<1000x16xf32, #tpu.memory_space<vmem>>, %arg4: memref<128x256xf32, #tpu.memory_space<vmem>>, %arg5: memref<128x256xf32, #tpu.memory_space<vmem>>, %arg6: memref<1x256xf32, #tpu.memory_space<vmem>>, %arg7: memref<1000x256xf32, #tpu.memory_space<vmem>>) attributes {dimension_semantics = [#tpu.dimension_semantics<arbitrary>], iteration_bounds = array<i64: 10>, scalar_prefetch = 0 : i64, scratch_operands = 0 : i64, tpu.core_type = #tpu.core_type<tc>, window_params = [{transform_indices = @transform_0, window_bounds = array<i64: 1000, 128>}, {transform_indices = @transform_1, window_bounds = array<i64: 2, 1000, 64>}, {transform_indices = @transform_2, window_bounds = array<i64: 1000, 16>}, {pipeline_mode = #tpu.pipeline_mode<synchronous>, transform_indices = @transform_3, window_bounds = array<i64: 128, 256>}, {pipeline_mode = #tpu.pipeline_mode<synchronous>, transform_indices = @transform_4, window_bounds = array<i64: 128, 256>}, {pipeline_mode = #tpu.pipeline_mode<synchronous>, transform_indices = @transform_5, window_bounds = array<i64: 1, 256>}, {transform_indices = @transform_6, window_bounds = array<i64: 1000, 256>}]} {
    %get3A = arith.constant 0 : index
    %get3A_0 = arith.constant 0 : index
    %get3A_1 = vector.load %arg3[%get3A, %get3A_0] : memref<1000x16xf32, #tpu.memory_space<vmem>>, vector<1000x1xf32>
    %max3A = arith.constant 1.000000e+00 : f32
    %max3A_2 = vector.broadcast %max3A : f32 to vector<1000x1xf32>
    %max3A_3 = arith.maximumf %get3A_1, %max3A_2 : vector<1000x1xf32>
    %div3A = arith.constant 1.000000e+00 : f32
    %div3A_4 = vector.broadcast %div3A : f32 to vector<1000x1xf32>
    %div3A_5 = arith.divf %div3A_4, %max3A_3 : vector<1000x1xf32>
    %get3A_6 = arith.constant 0 : index
    %get3A_7 = arith.constant 0 : index
    %get3A_8 = arith.constant 0 : index
    %get3A_9 = vector.load %arg2[%get3A_6, %get3A_7, %get3A_8] : memref<2x1000x64xf32, #tpu.memory_space<vmem>>, vector<1x1000x64xf32>
    %get3A_10 = vector.shape_cast %get3A_9 : vector<1x1000x64xf32> to vector<1000x64xf32>
    %get3A_11 = arith.constant 1 : index
    %get3A_12 = arith.constant 0 : index
    %get3A_13 = arith.constant 0 : index
    %get3A_14 = vector.load %arg2[%get3A_11, %get3A_12, %get3A_13] : memref<2x1000x64xf32, #tpu.memory_space<vmem>>, vector<1x1000x64xf32>
    %get3A_15 = vector.shape_cast %get3A_14 : vector<1x1000x64xf32> to vector<1000x64xf32>
    %concatenate3A = tpu.concatenate %get3A_10, %get3A_15 in 1 : vector<1000x64xf32>, vector<1000x64xf32> -> vector<1000x128xf32>
    %mul3A = vector.broadcast %div3A_5 : vector<1000x1xf32> to vector<1000x128xf32>
    %mul3A_16 = arith.mulf %concatenate3A, %mul3A : vector<1000x128xf32>
    %get3A_17 = arith.constant 0 : index
    %get3A_18 = arith.constant 0 : index
    %get3A_19 = vector.load %arg1[%get3A_17, %get3A_18] : memref<1000x128xf32, #tpu.memory_space<vmem>>, vector<1000x128xf32>
    %get3A_20 = arith.constant 0 : index
    %get3A_21 = arith.constant 0 : index
    %get3A_22 = vector.load %arg4[%get3A_20, %get3A_21] : memref<128x256xf32, #tpu.memory_space<vmem>>, vector<128x256xf32>
    %dot_general3A = arith.constant dense<0.000000e+00> : vector<1000x256xf32>
    %dot_general3A_23 = tpu.matmul %get3A_19, %get3A_22, %dot_general3A {dimension_numbers = #tpu.dot_dimension_numbers<[1], [0], [0], [1], [0, 0, 1, 1], [], []>, transpose_lhs_hint = false} : vector<1000x128xf32>, vector<128x256xf32>, vector<1000x256xf32> -> vector<1000x256xf32>
    %get3A_24 = arith.constant 0 : index
    %get3A_25 = arith.constant 0 : index
    %get3A_26 = vector.load %arg5[%get3A_24, %get3A_25] : memref<128x256xf32, #tpu.memory_space<vmem>>, vector<128x256xf32>
    %dot_general3A_27 = arith.constant dense<0.000000e+00> : vector<1000x256xf32>
    %dot_general3A_28 = tpu.matmul %mul3A_16, %get3A_26, %dot_general3A_27 {dimension_numbers = #tpu.dot_dimension_numbers<[1], [0], [0], [1], [0, 0, 1, 1], [], []>, transpose_lhs_hint = false} : vector<1000x128xf32>, vector<128x256xf32>, vector<1000x256xf32> -> vector<1000x256xf32>
    %add3A = arith.addf %dot_general3A_23, %dot_general3A_28 : vector<1000x256xf32>
    %get3A_29 = arith.constant 0 : index
    %get3A_30 = arith.constant 0 : index
    %get3A_31 = vector.load %arg6[%get3A_29, %get3A_30] : memref<1x256xf32, #tpu.memory_space<vmem>>, vector<1x256xf32>
    %add3A_32 = vector.broadcast %get3A_31 : vector<1x256xf32> to vector<1000x256xf32>
    %add3A_33 = arith.addf %add3A, %add3A_32 : vector<1000x256xf32>
    %max3A_34 = arith.constant 0.000000e+00 : f32
    %max3A_35 = vector.broadcast %max3A_34 : f32 to vector<1000x256xf32>
    %max3A_36 = arith.maximumf %add3A_33, %max3A_35 : vector<1000x256xf32>
    %swap3A = arith.constant 0 : index
    %swap3A_37 = arith.constant 0 : index
    %swap3A_38 = vector.load %arg7[%swap3A, %swap3A_37] : memref<1000x256xf32, #tpu.memory_space<vmem>>, vector<1000x256xf32>
    tpu.vector_store %arg7[%swap3A, %swap3A_37], %max3A_36 {strides = array<i32>} : memref<1000x256xf32, #tpu.memory_space<vmem>>, vector<1000x256xf32>,
    return
  }
  func.func @transform_0(%arg0: i32) -> (i32, i32) {
    %c0_i32 = arith.constant 0 : i32
    %c0_i32_0 = arith.constant 0 : i32
    return %arg0, %c0_i32 : i32, i32
  }
  func.func @transform_1(%arg0: i32) -> (i32, i32, i32) {
    %c0_i32 = arith.constant 0 : i32
    %c0_i32_0 = arith.constant 0 : i32
    %c0_i32_1 = arith.constant 0 : i32
    return %c0_i32, %arg0, %c0_i32_0 : i32, i32, i32
  }
  func.func @transform_2(%arg0: i32) -> (i32, i32) {
    %c0_i32 = arith.constant 0 : i32
    %c0_i32_0 = arith.constant 0 : i32
    return %arg0, %c0_i32 : i32, i32
  }
  func.func @transform_3(%arg0: i32) -> (i32, i32) {
    %c0_i32 = arith.constant 0 : i32
    %c0_i32_0 = arith.constant 0 : i32
    %c0_i32_1 = arith.constant 0 : i32
    return %c0_i32, %c0_i32_0 : i32, i32
  }
  func.func @transform_4(%arg0: i32) -> (i32, i32) {
    %c0_i32 = arith.constant 0 : i32
    %c0_i32_0 = arith.constant 0 : i32
    %c0_i32_1 = arith.constant 0 : i32
    return %c0_i32, %c0_i32_0 : i32, i32
  }
  func.func @transform_5(%arg0: i32) -> (i32, i32) {
    %c0_i32 = arith.constant 0 : i32
    %c0_i32_0 = arith.constant 0 : i32
    %c0_i32_1 = arith.constant 0 : i32
    return %c0_i32, %c0_i32_0 : i32, i32
  }
  func.func @transform_6(%arg0: i32) -> (i32, i32) {
    %c0_i32 = arith.constant 0 : i32
    %c0_i32_0 = arith.constant 0 : i32
    return %arg0, %c0_i32 : i32, i32
  }
}

module attributes {stable_mosaic.version = 14 : i64} {
  func.func @_tc_layer2_body(%arg0: i32, %arg1: memref<1000x256xf32, #tpu.memory_space<vmem>>, %arg2: memref<4x1000x64xf32, #tpu.memory_space<vmem>>, %arg3: memref<1000x16xf32, #tpu.memory_space<vmem>>, %arg4: memref<256x256xf32, #tpu.memory_space<vmem>>, %arg5: memref<256x256xf32, #tpu.memory_space<vmem>>, %arg6: memref<1x256xf32, #tpu.memory_space<vmem>>, %arg7: memref<1000x256xf32, #tpu.memory_space<vmem>>) attributes {dimension_semantics = [#tpu.dimension_semantics<arbitrary>], iteration_bounds = array<i64: 10>, scalar_prefetch = 0 : i64, scratch_operands = 0 : i64, tpu.core_type = #tpu.core_type<tc>, window_params = [{transform_indices = @transform_0, window_bounds = array<i64: 1000, 256>}, {transform_indices = @transform_1, window_bounds = array<i64: 4, 1000, 64>}, {transform_indices = @transform_2, window_bounds = array<i64: 1000, 16>}, {pipeline_mode = #tpu.pipeline_mode<synchronous>, transform_indices = @transform_3, window_bounds = array<i64: 256, 256>}, {pipeline_mode = #tpu.pipeline_mode<synchronous>, transform_indices = @transform_4, window_bounds = array<i64: 256, 256>}, {pipeline_mode = #tpu.pipeline_mode<synchronous>, transform_indices = @transform_5, window_bounds = array<i64: 1, 256>}, {transform_indices = @transform_6, window_bounds = array<i64: 1000, 256>}]} {
    %get3A = arith.constant 0 : index
    %get3A_0 = arith.constant 0 : index
    %get3A_1 = vector.load %arg3[%get3A, %get3A_0] : memref<1000x16xf32, #tpu.memory_space<vmem>>, vector<1000x1xf32>
    %max3A = arith.constant 1.000000e+00 : f32
    %max3A_2 = vector.broadcast %max3A : f32 to vector<1000x1xf32>
    %max3A_3 = arith.maximumf %get3A_1, %max3A_2 : vector<1000x1xf32>
    %div3A = arith.constant 1.000000e+00 : f32
    %div3A_4 = vector.broadcast %div3A : f32 to vector<1000x1xf32>
    %div3A_5 = arith.divf %div3A_4, %max3A_3 : vector<1000x1xf32>
    %get3A_6 = arith.constant 0 : index
    %get3A_7 = arith.constant 0 : index
    %get3A_8 = arith.constant 0 : index
    %get3A_9 = vector.load %arg2[%get3A_6, %get3A_7, %get3A_8] : memref<4x1000x64xf32, #tpu.memory_space<vmem>>, vector<1x1000x64xf32>
    %get3A_10 = vector.shape_cast %get3A_9 : vector<1x1000x64xf32> to vector<1000x64xf32>
    %get3A_11 = arith.constant 1 : index
    %get3A_12 = arith.constant 0 : index
    %get3A_13 = arith.constant 0 : index
    %get3A_14 = vector.load %arg2[%get3A_11, %get3A_12, %get3A_13] : memref<4x1000x64xf32, #tpu.memory_space<vmem>>, vector<1x1000x64xf32>
    %get3A_15 = vector.shape_cast %get3A_14 : vector<1x1000x64xf32> to vector<1000x64xf32>
    %get3A_16 = arith.constant 2 : index
    %get3A_17 = arith.constant 0 : index
    %get3A_18 = arith.constant 0 : index
    %get3A_19 = vector.load %arg2[%get3A_16, %get3A_17, %get3A_18] : memref<4x1000x64xf32, #tpu.memory_space<vmem>>, vector<1x1000x64xf32>
    %get3A_20 = vector.shape_cast %get3A_19 : vector<1x1000x64xf32> to vector<1000x64xf32>
    %get3A_21 = arith.constant 3 : index
    %get3A_22 = arith.constant 0 : index
    %get3A_23 = arith.constant 0 : index
    %get3A_24 = vector.load %arg2[%get3A_21, %get3A_22, %get3A_23] : memref<4x1000x64xf32, #tpu.memory_space<vmem>>, vector<1x1000x64xf32>
    %get3A_25 = vector.shape_cast %get3A_24 : vector<1x1000x64xf32> to vector<1000x64xf32>
    %concatenate3A = tpu.concatenate %get3A_10, %get3A_15, %get3A_20, %get3A_25 in 1 : vector<1000x64xf32>, vector<1000x64xf32>, vector<1000x64xf32>, vector<1000x64xf32> -> vector<1000x256xf32>
    %mul3A = vector.broadcast %div3A_5 : vector<1000x1xf32> to vector<1000x256xf32>
    %mul3A_26 = arith.mulf %concatenate3A, %mul3A : vector<1000x256xf32>
    %get3A_27 = arith.constant 0 : index
    %get3A_28 = arith.constant 0 : index
    %get3A_29 = vector.load %arg1[%get3A_27, %get3A_28] : memref<1000x256xf32, #tpu.memory_space<vmem>>, vector<1000x256xf32>
    %get3A_30 = arith.constant 0 : index
    %get3A_31 = arith.constant 0 : index
    %get3A_32 = vector.load %arg4[%get3A_30, %get3A_31] : memref<256x256xf32, #tpu.memory_space<vmem>>, vector<256x256xf32>
    %dot_general3A = arith.constant dense<0.000000e+00> : vector<1000x256xf32>
    %dot_general3A_33 = tpu.matmul %get3A_29, %get3A_32, %dot_general3A {dimension_numbers = #tpu.dot_dimension_numbers<[1], [0], [0], [1], [0, 0, 1, 1], [], []>, transpose_lhs_hint = false} : vector<1000x256xf32>, vector<256x256xf32>, vector<1000x256xf32> -> vector<1000x256xf32>
    %get3A_34 = arith.constant 0 : index
    %get3A_35 = arith.constant 0 : index
    %get3A_36 = vector.load %arg5[%get3A_34, %get3A_35] : memref<256x256xf32, #tpu.memory_space<vmem>>, vector<256x256xf32>
    %dot_general3A_37 = arith.constant dense<0.000000e+00> : vector<1000x256xf32>
    %dot_general3A_38 = tpu.matmul %mul3A_26, %get3A_36, %dot_general3A_37 {dimension_numbers = #tpu.dot_dimension_numbers<[1], [0], [0], [1], [0, 0, 1, 1], [], []>, transpose_lhs_hint = false} : vector<1000x256xf32>, vector<256x256xf32>, vector<1000x256xf32> -> vector<1000x256xf32>
    %add3A = arith.addf %dot_general3A_33, %dot_general3A_38 : vector<1000x256xf32>
    %get3A_39 = arith.constant 0 : index
    %get3A_40 = arith.constant 0 : index
    %get3A_41 = vector.load %arg6[%get3A_39, %get3A_40] : memref<1x256xf32, #tpu.memory_space<vmem>>, vector<1x256xf32>
    %add3A_42 = vector.broadcast %get3A_41 : vector<1x256xf32> to vector<1000x256xf32>
    %add3A_43 = arith.addf %add3A, %add3A_42 : vector<1000x256xf32>
    %max3A_44 = arith.constant 0.000000e+00 : f32
    %max3A_45 = vector.broadcast %max3A_44 : f32 to vector<1000x256xf32>
    %max3A_46 = arith.maximumf %add3A_43, %max3A_45 : vector<1000x256xf32>
    %swap3A = arith.constant 0 : index
    %swap3A_47 = arith.constant 0 : index
    %swap3A_48 = vector.load %arg7[%swap3A, %swap3A_47] : memref<1000x256xf32, #tpu.memory_space<vmem>>, vector<1000x256xf32>
    tpu.vector_store %arg7[%swap3A, %swap3A_47], %max3A_46 {strides = array<i32>} : memref<1000x256xf32, #tpu.memory_space<vmem>>, vector<1000x256xf32>,
    return
  }
  func.func @transform_0(%arg0: i32) -> (i32, i32) {
    %c0_i32 = arith.constant 0 : i32
    %c0_i32_0 = arith.constant 0 : i32
    return %arg0, %c0_i32 : i32, i32
  }
  func.func @transform_1(%arg0: i32) -> (i32, i32, i32) {
    %c0_i32 = arith.constant 0 : i32
    %c0_i32_0 = arith.constant 0 : i32
    %c0_i32_1 = arith.constant 0 : i32
    return %c0_i32, %arg0, %c0_i32_0 : i32, i32, i32
  }
  func.func @transform_2(%arg0: i32) -> (i32, i32) {
    %c0_i32 = arith.constant 0 : i32
    %c0_i32_0 = arith.constant 0 : i32
    return %arg0, %c0_i32 : i32, i32
  }
  func.func @transform_3(%arg0: i32) -> (i32, i32) {
    %c0_i32 = arith.constant 0 : i32
    %c0_i32_0 = arith.constant 0 : i32
    %c0_i32_1 = arith.constant 0 : i32
    return %c0_i32, %c0_i32_0 : i32, i32
  }
  func.func @transform_4(%arg0: i32) -> (i32, i32) {
    %c0_i32 = arith.constant 0 : i32
    %c0_i32_0 = arith.constant 0 : i32
    %c0_i32_1 = arith.constant 0 : i32
    return %c0_i32, %c0_i32_0 : i32, i32
  }
  func.func @transform_5(%arg0: i32) -> (i32, i32) {
    %c0_i32 = arith.constant 0 : i32
    %c0_i32_0 = arith.constant 0 : i32
    %c0_i32_1 = arith.constant 0 : i32
    return %c0_i32, %c0_i32_0 : i32, i32
  }
  func.func @transform_6(%arg0: i32) -> (i32, i32) {
    %c0_i32 = arith.constant 0 : i32
    %c0_i32_0 = arith.constant 0 : i32
    return %arg0, %c0_i32 : i32, i32
  }
}

</mosaic_0001>

<sc_bundles>
// kernel: kernel.6.cloned.1.call-start
scs
__scs_entry_jumppad:
0x0: {  	(pc) =	sbr.rel $0x88, $3  }
0x1: {  	(tag) =	ssettag $0x0;
	lr =	simm.s32 $0x1  }
0x2: {  	[smem:$0x3F99] =	sst lr;
	_ =	strace $0xD0000000  }
0x3: {  	_ = 	snop  }
0x4: {  	_ = 	snop  }
0x5: {  	_ = 	snop  }
0x6: {  	_ = 	snop  }
0x7: {  	_ = 	snop  }
__scs_overlays_trampoline_lowered:
0x8: {  	[smem:$0x3FA8] =	sst s0  }
0x9: {  	[smem:$0x3FA9] =	sst s1  }
0xa: {  	[smem:$0x3FAA] =	sst s2  }
0xb: {  	[smem:$0x3FAB] =	sst s3  }
0xc: {  	[smem:$0x3FAC] =	sst s4  }
0xd: {  	[smem:$0x3FAD] =	sst s5  }
0xe: {  	[smem:$0x3FAE] =	sst s6  }
0xf: {  	[smem:$0x3FAF] =	sst s7  }
0x10: {  	[smem:$0x3FB0] =	sst s8  }
0x11: {  	[smem:$0x3FB1] =	sst s9;
	s0 =	simm.s32 @!p0 $0x0  }
0x12: {  	s1 =	sld [smem:$0x3F97];
	s0 =	simm.s32 @p0 $0x1  }
0x13: {  	[smem:$0x3FB2] =	sst s0;
	s0 =	simm.s32 @!p1 $0x0  }
0x14: {  	s2 =	sld [smem:$0x3F96];
	s0 =	simm.s32 @p1 $0x1  }
0x15: {  	[smem:$0x3FB3] =	sst s0;
	s0 =	simm.s32 @!p2 $0x0  }
0x16: {  	s3 =	sld [smem:$0x3FDB];
	s0 =	simm.s32 @p2 $0x1  }
0x17: {  	s4 =	simm.s32 $0x1BF5;
	[smem:$0x3FB5] =	sst s0  }
0x18: {  	s0 =	sld [smem:$0x3F98];
	_ =	swait.ge [sflag:s4], $0x0  }
0x19: {  	s7 =	sld [smem:$0x3F99]  }
0x1a: {  	s8 =	sadd.s32 $0xFFFFE003, lr  }
0x1b: {  	s9 =	sadd.s32 $0xFFFFFEF7, lr;
	s5 =	simm.s32 $0xFFFFFFFF;
	p2 =	slt.u32 s8, $0xFFFFF086  }
0x1c: {  	p1 =	slt.u32 s9, $0xF7A;
	s5 =	simm.s32 @!p2 $0x0  }
0x1d: {  	s5 =	simm.s32 @p1 $0x1;
	p0 =	seq.s32 s7, s2  }
0x1e: {  	s7 =	smul.u32 @!p0 $0xF7A, s2;
	p2 =	seq.s32 @!p0 s5, $0x0  }
0x1f: {  	s9 =	smul.u32 $0xF7A, s1;
	s8 =	simm.s32 @!p0 $0x1BF5;
	p2 =	por !p2, p0  }
0x20: {  	[sflag:s8] =	ssyncset.s32 @!p0 $0xFFFFF086;
	s6 =	sadd.s32 @!p0 s3, s7;
	s7 =	simm.s32 @!p0 $0x108  }
0x21: {  	s3 =	sadd.s32 s3, s9;
	s6 =	sadd.s32 @!p0 $0x88, s6;
	s7 =	simm.s32 @p2 $0x1082  }
0x22: {  	[simem:s7], [sflag:s8] =	dma.local @!p0 [hbm:s6], $0xF7A  }
0x23: {  	s9 =	sor.u32 $0xD0000000, s2;
	s6 =	simm.s32 $0x108;
	_ =	swait.ge @!p0 [sflag:s8], $0x0  }
0x24: {  	s3 =	sadd.s32 $0x88, s3;
	s6 =	simm.s32 @!p1 $0x1082;
	[sflag:s4] =	ssyncset.s32 $0xFFFFF086  }
0x25: {  	[simem:s6], [sflag:s4] =	dma.local [hbm:s3], $0xF7A  }
0x26: {  	[smem:$0x3F99] =	sst s1;
	(tag) =	ssettag s2;
	_ =	strace s9  }
0x27: {  	s1 =	sld [smem:$0x3FA9]  }
0x28: {  	s2 =	sld [smem:$0x3FAA]  }
0x29: {  	s4 =	sld [smem:$0x3FAC]  }
0x2a: {  	p0 =	seq.s32 s5, $0x0;
	s5 =	sld [smem:$0x3FAD]  }
0x2b: {  	s6 =	sld [smem:$0x3FAE]  }
0x2c: {  	s7 =	sld [smem:$0x3FAF]  }
0x2d: {  	s3 =	simm.s32 $0x108;
	s8 =	sld [smem:$0x3FB0]  }
0x2e: {  	s3 =	simm.s32 @!p0 $0x1082;
	s9 =	sld [smem:$0x3FB1]  }
0x2f: {  	lr =	sadd.s32 s0, s3;
	s0 =	sld [smem:$0x3FA8]  }
0x30: {  	s3 =	sld [smem:$0x3FAB]  }
0x31: {  	[smem:$0x3FB4] =	sst s10  }
0x32: {  	s10 =	sld [smem:$0x3FB2];
	_ =	sdelay $0x3  }
0x33: {  	p0 =	seq.s32 s10, $0x1;
	s10 =	sld [smem:$0x3FB4];
	_ =	sdelay $0x3  }
0x34: {  	[smem:$0x3FB4] =	sst s10  }
0x35: {  	s10 =	sld [smem:$0x3FB3];
	_ =	sdelay $0x3  }
0x36: {  	p1 =	seq.s32 s10, $0x1;
	s10 =	sld [smem:$0x3FB4];
	_ =	sdelay $0x3  }
0x37: {  	[smem:$0x3FB4] =	sst s10  }
0x38: {  	s10 =	sld [smem:$0x3FB5]  }
0x39: {  	_ = 	snop;
	(pc) =	sbr.ind lr, $3  }
0x3a: {  	_ = 	snop  }
0x3b: {  	_ = 	snop  }
0x3c: {  	p2 =	seq.s32 s10, $0x1;
	s10 =	sld [smem:$0x3FB4]  }
0x3d: {  	_ =	shalt  }
0x3e: {  	_ =	shalt  }
0x3f: {  	_ =	shalt  }
0x40: {  	_ =	shalt  }
0x41: {  	_ =	shalt  }
0x42: {  	_ =	shalt  }
0x43: {  	_ =	shalt  }
0x44: {  	_ =	shalt  }
0x45: {  	_ =	shalt  }
0x46: {  	_ =	shalt  }
0x47: {  	_ =	shalt  }
0x48: {  	_ =	shalt  }
0x49: {  	_ =	shalt  }
0x4a: {  	_ =	shalt  }
0x4b: {  	_ =	shalt  }
0x4c: {  	_ =	shalt  }
0x4d: {  	_ =	shalt  }
0x4e: {  	_ =	shalt  }
0x4f: {  	_ =	shalt  }
0x50: {  	_ =	shalt  }
0x51: {  	_ =	shalt  }
0x52: {  	_ =	shalt  }
0x53: {  	_ =	shalt  }
0x54: {  	_ =	shalt  }
0x55: {  	_ =	shalt  }
0x56: {  	_ =	shalt  }
0x57: {  	_ =	shalt  }
0x58: {  	_ =	shalt  }
0x59: {  	_ =	shalt  }
0x5a: {  	_ =	shalt  }
0x5b: {  	_ =	shalt  }
0x5c: {  	_ =	shalt  }
0x5d: {  	_ =	shalt  }
0x5e: {  	_ =	shalt  }
0x5f: {  	_ =	shalt  }
0x60: {  	_ =	shalt  }
0x61: {  	_ =	shalt  }
0x62: {  	_ =	shalt  }
0x63: {  	_ =	shalt  }
0x64: {  	_ =	shalt  }
0x65: {  	_ =	shalt  }
0x66: {  	_ =	shalt  }
0x67: {  	_ =	shalt  }
0x68: {  	_ =	shalt  }
0x69: {  	_ =	shalt  }
0x6a: {  	_ =	shalt  }
0x6b: {  	_ =	shalt  }
0x6c: {  	_ =	shalt  }
0x6d: {  	_ =	shalt  }
0x6e: {  	_ =	shalt  }
0x6f: {  	_ =	shalt  }
0x70: {  	_ =	shalt  }
0x71: {  	_ =	shalt  }
0x72: {  	_ =	shalt  }
0x73: {  	_ =	shalt  }
0x74: {  	_ =	shalt  }
0x75: {  	_ =	shalt  }
0x76: {  	_ =	shalt  }
0x77: {  	_ =	shalt  }
0x78: {  	_ =	shalt  }
0x79: {  	_ =	shalt  }
0x7a: {  	_ =	shalt  }
0x7b: {  	_ =	shalt  }
0x7c: {  	_ =	shalt  }
0x7d: {  	_ =	shalt  }
0x7e: {  	_ =	shalt  }
0x7f: {  	_ =	shalt  }
0x80: {  	_ =	shalt  }
0x81: {  	_ =	shalt  }
0x82: {  	_ =	shalt  }
0x83: {  	_ =	shalt  }
0x84: {  	_ =	shalt  }
0x85: {  	_ =	shalt  }
0x86: {  	_ =	shalt  }
0x87: {  	_ =	shalt  }
.Lfunc_end0:
.L_simem_size_0:
called_computation_lowered:
.L_overlay_start_0:
0x88: {  	s2 =	sld [smem:$0x3FD9]  }
0x89: {  	s3 =	sld [smem:$0x3FFE];
	_ =	sdelay $0x1  }
0x8a: {  	s1 =	srdreg.scid  }
0x8b: {  	s0 =	sand.u32 $0x1, s1  }
0x8c: {  	s17 =	sshll.u32 s0, $0xA;
	s2 =	sadd.s32 s3, s2  }
0x8d: {  	s2 =	sadd.s32 s2, s17  }
0x8e: {  	[smem:$0x3FC0] =	sst s2  }
0x8f: {  	_ = 	snop  }
0x90: {  	s2 =	sld [smem:$0x3FC9]  }
0x91: {  	s18 =	sld [smem:$0x3FD0];
	(tm) =	ssettm $0x1  }
0x92: {  	s4 =	sld [smem:$0x3FFB];
	_ =	sdelay $0x3  }
0x93: {  	_ =	strace s4  }
0x94: {  	s4 =	sld [smem:$0x3FFC];
	_ =	sdelay $0x3  }
0x95: {  	_ =	strace s4  }
0x96: {  	s4 =	sld [smem:$0x3FFD];
	_ =	sdelay $0x3  }
0x97: {  	_ =	strace s4  }
0x98: {  	_ =	strace $0x8FFFFFFF  }
0x99: {  	s19 =	sld [smem:$0x3FDB];
	_ =	sdelay $0x1  }
0x9a: {  	s5 =	simm.s32 $_scs_section_size  }
0x9b: {  	s6 =	simm.s32 $_size__tile_overlayer_lowered;
	s7 =	simm.s32 $_tile_overlayer_lowered  }
0x9c: {  	s22 =	simm.s32 $0x1BFF;
	s21 =	sshll.u32 s7, $0x1;
	s4 =	sadd.s32 s5, s19  }
0x9d: {  	s8 =	simm.s32 $0x0;
	s20 =	sshll.u32 s6, $0x1;
	s6 =	sadd.s32 s21, s4  }
0x9e: {  	[timem:s8], [sflag:s22] =	dma.local [hbm:s6], s20  }
0x9f: {  	_ =	swait.ge [sflag:s22], s20  }
0xa0: {  	s5 =	ssub.s32 $0x0, s20;
	[sflag:s22] =	ssyncset.done $0x0  }
0xa1: {  	[sflag:s22] =	ssyncadd.s32 s5;
	_ =	sdelay $0x1  }
0xa2: {  	s23 =	simm.s32 $0x1B8B  }
0xa3: {  	_ =	swait.ge [sflag:s23], $0x1  }
0xa4: {  	[sflag:s23] =	ssyncset.done $0x0  }
0xa5: {  	s25 =	simm.s32 $0x1B8E;
	s24 =	sld [smem:$0x3FFE];
	[sflag:s23] =	ssyncadd.s32 $0xFFFFFFFF  }
0xa6: {  	s26 =	simm.s32 $execute0_lowered;
	[smem:$0x3FD2] =	sst s25  }
0xa7: {  	s6 =	sshll.u32 s26, $0x1;
	_ =	strace $0x80000046;
	[dreg:$0x1] =	wrdreg $0xFFFFFFFF  }
0xa8: {  	s28 =	simm.s32 $_size_execute0_lowered;
	s4 =	sadd.s32 s4, s6;
	[dreg:$0x0] =	wrdreg $0x0  }
0xa9: {  	s6 =	sshll.u32 s28, $0x1;
	[dreg:$0x2] =	wrdreg s4  }
0xaa: {  	[dreg:$0x3] =	wrdreg s6  }
0xab: {  	[dreg:$0x4] =	wrdreg $0xC0  }
0xac: {  	_ =	task [dreg:s8], $0x5FFFF  }
0xad: {  	[dreg:$0x1] =	wrdreg $0xFFFFFFFF  }
0xae: {  	[dreg:$0x0] =	wrdreg $0x60  }
0xaf: {  	[dreg:$0x2] =	wrdreg s2  }
0xb0: {  	[dreg:$0x3] =	wrdreg s24  }
0xb1: {  	[dreg:$0x4] =	wrdreg s18  }
0xb2: {  	[dreg:$0x5] =	wrdreg $0xE8000  }
0xb3: {  	[dreg:$0x6] =	wrdreg $0x188000  }
0xb4: {  	[dreg:$0x7] =	wrdreg $0x9  }
0xb5: {  	_ =	task.clear_ibuf [dreg:s8], $0x8FFFF;
	_ =	strace $0x90000046  }
0xb6: {  	s29 =	simm.s32 $0x9;
	_ =	strace $0x80000048  }
0xb7: {  	_ =	swait.ge [sflag:s29], $0x1  }
0xb8: {  	[sflag:s29] =	ssyncadd.s32 $0xFFFFFFFF  }
0xb9: {  	_ =	strace $0x90000048  }
0xba: {  	_ =	sfence  }
0xbb: {  	s30 =	sld [smem:$0x0];
	_ =	sdelay $0x2  }
0xbc: {  	s31 =	sshll.u32 s1, $0xD;
	s1 =	sshrl.u32 s1, $0x2  }
0xbd: {  	s3 =	sand.u32 $0x4000, s31;
	s1 =	sadd.s32 s1, s30  }
0xbe: {  	s0 =	sor.u32 s3, s0;
	s1 =	sshll.u32 s1, $0x11  }
0xbf: {  	s0 =	sor.u32 s1, s0  }
0xc0: {  	s0 =	sadd.s32 $0x8F2B, s0  }
0xc1: {  	[sflag:s0] =	ssyncadd.remote.s32 $0x1  }
0xc2: {  	_ =	sfence.sel $0xFFFF  }
0xc3: {  	[dreg:$0x0] =	wrdreg $0xFFFFFFFF;
	(pc) =	sbr.abs _section_cstart, $3  }
0xc4: {  	[dreg:$0x1] =	wrdreg $0xFFFFFFFF  }
0xc5: {  	_ =	task.clear_ibuf [dreg:s8], $0x2FFFF;
	_ =	strace $0x9FFFFFFF  }
0xc6: {  	(tm) =	ssettm $0x7FFFFFFF  }
0xc7: {  	_ =	shalt  }
tec
execute0_lowered:
.L_overlay_start_1:
0x0: {  	(tag) =	ssettag $0x1  }
0x1: {  	s1 =	rddreg [dreg:$0x0]  }
0x2: {  	s0 =	rddreg [dreg:$0x1]  }
0x3: {  	s2 =	rddreg [dreg:$0x2];
	s4 =	srdreg.scid  }
0x4: {  	s18 =	stileid.u32;
	s3 =	rddreg [dreg:$0x3];
	s5 =	simm.s32 $0x0  }
0x5: {  	s21 =	simm.s32 $0x80;
	s22 =	simm.s32 $0xA000;
	s23 =	simm.s32 $0xC000  }
0x6: {  	s24 =	simm.s32 $0x1;
	s25 =	simm.s32 $0x4;
	s30 =	simm.s32 $0x0  }
0x7: {  	s19 =	sand.u32 $0x1, s4;
	s6 =	smul.u32 $0x5000, s18;
	s4 =	rddreg [dreg:$0x4]  }
0x8: {  	[smem:$0x7FF] =	sst s5;
	s10 =	smul.u32 $0x2800, s18;
	s26 =	sadd.s32 $0x20600, s0  }
0x9: {  	s8 =	sadd.s32 $0x1FE00, s0;
	s14 =	smul.u32 $0xA000, s18;
	s29 =	sshll.u32 s18, $0x6  }
0xa: {  	s7 =	smul.u32 $0x50000, s19;
	_ =	strace $0x80000047;
	[dreg:$0x6] =	wrdreg s26  }
0xb: {  	s13 =	ssub.s32 $0x2, s19;
	s15 =	smul.u32 $0xA0000, s19;
	p0 =	sne.s32 s19, $0x0  }
0xc: {  	s26 =	simm.s32 $0x2;
	s9 =	sshrl.u32 s10, $0x3;
	s28 =	sshrl.u32 s13, $0x1  }
0xd: {  	s17 =	sadd.s32 s14, s3;
	s10 =	sadd.s32 s10, s4;
	s7 =	sadd.s32 s6, s7  }
0xe: {  	s6 =	sshrl.u32 s6, $0x3;
	s16 =	ssub.s32 s13, s28;
	s31 =	sadd.s32 s14, s15  }
0xf: {  	s18 =	sshrl.u32 s10, $0x3;
	s7 =	sshrl.u32 s7, $0x3;
	s12 =	sadd.s32 s6, s0  }
0x10: {  	s13 =	sshrl.u32 s31, $0x3;
	s15 =	smax.u32 s16, $0x1;
	s16 =	sshrl.u32 s17, $0x3  }
0x11: {  	s17 =	simm.s32 $0x3;
	s11 =	sadd.s32 s7, s0;
	s7 =	sadd.s32 $0x20000, s0  }
0x12: {  	s0 =	sadd.s32 s9, s0;
	s9 =	sor.u32 $0x1C03, s29;
	s12 =	sadd.s32 $0x1E00, s12  }
0x13: {  	s13 =	sadd.s32 s2, s13;
	s11 =	sadd.s32 $0xBE00, s11;
	s14 =	sadd.s32 $0x21A00, s0  }
.LBB2_1:
0x14: {  	s0 =	rddreg [dreg:$0x6]  }
0x15: {  	[spmem:s16], [sflag:s9] =	dma.local [hbm:s0], $0x1400  }
0x16: {  	_ =	swait.ge [sflag:s17], $0x1400  }
0x17: {  	[sflag:s17] =	ssyncset.done $0x0  }
0x18: {  	[sflag:s17] =	ssyncadd.s32 $0xFFFFEC00  }
0x19: {  	[spmem:s18], [sflag:s9] =	dma.local [hbm:s7], $0x500  }
0x1a: {  	_ =	swait.ge [sflag:s17], $0x500  }
0x1b: {  	[sflag:s17] =	ssyncset.done $0x0  }
0x1c: {  	[sflag:s17] =	ssyncadd.s32 $0xFFFFFB00  }
0x1d: {  	[tilespmem:s5], [sflag:$0x3] =	stream.linear.gather [hbm4b:s11+s5], $0x5000, $0x38;
	[tilespmem:$0x1B000] =	vst v63  }
0x1e: {  	_ =	swait.ge [sflag:s17], $0x5000  }
0x1f: {  	[sflag:s17] =	ssyncset.done $0x0  }
0x20: {  	s6 =	simm.s32 $0x5000;
	[sflag:s17] =	ssyncadd.s32 $0xFFFFB000  }
0x21: {  	[tilespmem:s6], [sflag:$0x3] =	stream.linear.gather [hbm4b:s12+s5], $0x5000, $0x38;
	[tilespmem:$0x1B000] =	vst v63  }
0x22: {  	_ =	swait.ge [sflag:s17], $0x5000  }
0x23: {  	[sflag:s17] =	ssyncset.done $0x0  }
0x24: {  	s19 =	simm.s32 $0xE000;
	[sflag:s17] =	ssyncadd.s32 $0xFFFFB000  }
0x25: {  	[tilespmem:s19], [sflag:$0x3] =	stream.linear.gather [hbm4b:s8+s5], $0x800, $0x38;
	[tilespmem:$0x1B000] =	vst v63  }
0x26: {  	_ =	swait.ge [sflag:s17], $0x800  }
0x27: {  	[sflag:s17] =	ssyncset.done $0x0  }
0x28: {  	[sflag:s17] =	ssyncadd.s32 $0xFFFFF800  }
0x29: {  	[bflag:$0x0] =	sbarrier.arrive $0xFFFF  }
0x2a: {  	[tilespmem:s22], [sflag:$0x1] =	stream.indirect.gather [hbm4b:s1+s21], $0x40, s5, s21, $0xb8;
	[tilespmem:$0x1B000] =	vst v63  }
0x2b: {  	s20 =	simm.s32 $0x80  }
0x2c: {  	[tilespmem:s23], [sflag:$0x2] =	stream.indirect.gather [hbm4b:s1+s21], $0x40, s20, s21, $0xb8;
	[tilespmem:$0x1B000] =	vst v63  }
0x2d: {  	_ =	swait.ge [sflag:s24], $0x2000  }
0x2e: {  	[sflag:s24] =	ssyncset.done $0x0  }
0x2f: {  	s19 =	simm.s32 $0x5000;
	[sflag:s24] =	ssyncadd.s32 $0xFFFFE000  }
0x30: {  	[spmem:s3] =	stream.indirect.scatter.add.f32 [tilespmem:s22], [sflag:$0x4], $0x40, s19, s21, $0xb8;
	[tilespmem:$0x1B000] =	vst v63  }
0x31: {  	_ =	swait.ge [sflag:s25], $0x2000  }
0x32: {  	s31 =	simm.s32 @!p0 $0x4;
	[sflag:s25] =	ssyncset.done $0x0  }
0x33: {  	s2 =	simm.s32 @!p0 $0x80;
	s0 =	simm.s32 @!p0 $0xE000;
	[sflag:s25] =	ssyncadd.s32 $0xFFFFE000  }
0x34: {  	[spmem:s4] =	stream.indirect.scatter.add.f32 @!p0 [tilespmem:s0], [sflag:$0x4], $0x10, s19, s2, $0xb8;
	[tilespmem:$0x1B000] =	vst v63  }
0x35: {  	_ =	swait.ge @!p0 [sflag:s31], $0x800  }
0x36: {  	[sflag:s31] =	ssyncset.done @!p0 $0x0  }
0x37: {  	s29 =	simm.s32 $0x100;
	[sflag:s31] =	ssyncadd.s32 @!p0 $0xFFFFF800  }
0x38: {  	[tilespmem:s22], [sflag:$0x1] =	stream.indirect.gather [hbm4b:s1+s21], $0x40, s29, s21, $0xb8;
	[tilespmem:$0x1B000] =	vst v63  }
0x39: {  	_ =	swait.ge [sflag:s26], $0x2000  }
0x3a: {  	[sflag:s26] =	ssyncset.done $0x0  }
0x3b: {  	s19 =	simm.s32 $0x5080;
	[sflag:s26] =	ssyncadd.s32 $0xFFFFE000  }
0x3c: {  	[spmem:s3] =	stream.indirect.scatter.add.f32 [tilespmem:s23], [sflag:$0x4], $0x40, s19, s21, $0xb8;
	[tilespmem:$0x1B000] =	vst v63  }
0x3d: {  	_ =	swait.ge [sflag:s25], $0x2000  }
0x3e: {  	[sflag:s25] =	ssyncset.done $0x0  }
0x3f: {  	s20 =	simm.s32 @!p0 $0x3;
	[sflag:s25] =	ssyncadd.s32 $0xFFFFE000  }
0x40: {  	[spmem:s4] =	stream.indirect.scatter.add.f32 @!p0 [tilespmem:s0], [sflag:$0x3], $0x10, s19, s2, $0xb8;
	[tilespmem:$0x1B000] =	vst v63  }
0x41: {  	_ =	swait.ge @!p0 [sflag:s20], $0x800  }
0x42: {  	s28 =	simm.s32 $0x800;
	s19 =	simm.s32 $0x100;
	[sflag:s20] =	ssyncset.done @!p0 $0x0  }
.LBB2_2:
0x43: {  	s29 =	sadd.s32 $0x80, s19  }
0x44: {  	[sflag:s20] =	ssyncadd.s32 @!p0 $0xFFFFF800;
	s6 =	smov.u32 s28;
	s28 =	sadd.s32 $0x400, s28  }
0x45: {  	[tilespmem:s23], [sflag:$0x2] =	stream.indirect.gather [hbm4b:s1+s21], $0x40, s29, s21, $0xb8;
	[tilespmem:$0x1B000] =	vst v63  }
0x46: {  	p1 =	sne.s32 s28, $0x13C00;
	_ =	swait.ge [sflag:s24], $0x2000  }
0x47: {  	[sflag:s24] =	ssyncset.done $0x0  }
0x48: {  	s29 =	sadd.s32 $0x5000, s19;
	[sflag:s24] =	ssyncadd.s32 $0xFFFFE000  }
0x49: {  	[spmem:s3] =	stream.indirect.scatter.add.f32 [tilespmem:s22], [sflag:$0x4], $0x40, s29, s21, $0xb8;
	[tilespmem:$0x1B000] =	vst v63  }
0x4a: {  	_ =	swait.ge [sflag:s25], $0x2000  }
0x4b: {  	[sflag:s25] =	ssyncset.done $0x0  }
0x4c: {  	[sflag:s25] =	ssyncadd.s32 $0xFFFFE000  }
0x4d: {  	[spmem:s4] =	stream.indirect.scatter.add.f32 @!p0 [tilespmem:s0], [sflag:$0x4], $0x10, s29, s2, $0xb8;
	[tilespmem:$0x1B000] =	vst v63  }
0x4e: {  	_ =	swait.ge @!p0 [sflag:s31], $0x800  }
0x4f: {  	[sflag:s31] =	ssyncset.done @!p0 $0x0  }
0x50: {  	s29 =	sadd.s32 $0x100, s19;
	[sflag:s31] =	ssyncadd.s32 @!p0 $0xFFFFF800  }
0x51: {  	[tilespmem:s22], [sflag:$0x1] =	stream.indirect.gather [hbm4b:s1+s21], $0x40, s29, s21, $0xb8;
	[tilespmem:$0x1B000] =	vst v63  }
0x52: {  	_ =	swait.ge [sflag:s26], $0x2000  }
0x53: {  	[sflag:s26] =	ssyncset.done $0x0  }
0x54: {  	s19 =	sadd.s32 $0x5080, s19;
	[sflag:s26] =	ssyncadd.s32 $0xFFFFE000  }
0x55: {  	[spmem:s3] =	stream.indirect.scatter.add.f32 [tilespmem:s23], [sflag:$0x4], $0x40, s19, s21, $0xb8;
	[tilespmem:$0x1B000] =	vst v63  }
0x56: {  	_ =	swait.ge [sflag:s25], $0x2000  }
.Ltmp0:
0x57: {  	[sflag:s25] =	ssyncset.done $0x0;
	(pc) =	sbr.rel @p1 .LBB2_2-.Ltmp0, $4  }
0x58: {  	[sflag:s25] =	ssyncadd.s32 $0xFFFFE000  }
0x59: {  	[spmem:s4] =	stream.indirect.scatter.add.f32 @!p0 [tilespmem:s0], [sflag:$0x3], $0x10, s19, s2, $0xb8;
	[tilespmem:$0x1B000] =	vst v63  }
0x5a: {  	_ =	swait.ge @!p0 [sflag:s20], $0x800  }
0x5b: {  	s19 =	sshra.s32 s6, $0x2;
	[sflag:s20] =	ssyncset.done @!p0 $0x0  }
0x5c: {  	s0 =	sadd.s32 $0x80, s19;
	[sflag:s20] =	ssyncadd.s32 @!p0 $0xFFFFF800  }
0x5d: {  	[tilespmem:s23], [sflag:$0x2] =	stream.indirect.gather [hbm4b:s1+s21], $0x40, s0, s21, $0xb8;
	[tilespmem:$0x1B000] =	vst v63  }
0x5e: {  	_ =	swait.ge [sflag:s24], $0x2000  }
0x5f: {  	[sflag:s24] =	ssyncset.done $0x0  }
0x60: {  	s0 =	sadd.s32 $0x5000, s19;
	[sflag:s24] =	ssyncadd.s32 $0xFFFFE000  }
0x61: {  	[spmem:s3] =	stream.indirect.scatter.add.f32 [tilespmem:s22], [sflag:$0x4], $0x40, s0, s21, $0xb8;
	[tilespmem:$0x1B000] =	vst v63  }
0x62: {  	_ =	swait.ge [sflag:s25], $0x2000  }
0x63: {  	s2 =	simm.s32 @!p0 $0x4;
	[sflag:s25] =	ssyncset.done $0x0  }
0x64: {  	s6 =	simm.s32 @!p0 $0x80;
	s20 =	simm.s32 @!p0 $0xE000;
	[sflag:s25] =	ssyncadd.s32 $0xFFFFE000  }
0x65: {  	[spmem:s4] =	stream.indirect.scatter.add.f32 @!p0 [tilespmem:s20], [sflag:$0x4], $0x10, s0, s6, $0xb8;
	[tilespmem:$0x1B000] =	vst v63  }
0x66: {  	_ =	swait.ge @!p0 [sflag:s2], $0x800  }
0x67: {  	[sflag:s2] =	ssyncset.done @!p0 $0x0  }
0x68: {  	s28 =	sadd.s32 $0x100, s19;
	[sflag:s2] =	ssyncadd.s32 @!p0 $0xFFFFF800  }
0x69: {  	[tilespmem:s22], [sflag:$0x1] =	stream.indirect.gather [hbm4b:s1+s21], $0x40, s28, s21, $0xb8;
	[tilespmem:$0x1B000] =	vst v63  }
0x6a: {  	_ =	swait.ge [sflag:s26], $0x2000  }
0x6b: {  	[sflag:s26] =	ssyncset.done $0x0  }
0x6c: {  	s0 =	sadd.s32 $0x5080, s19;
	[sflag:s26] =	ssyncadd.s32 $0xFFFFE000  }
0x6d: {  	[spmem:s3] =	stream.indirect.scatter.add.f32 [tilespmem:s23], [sflag:$0x4], $0x40, s0, s21, $0xb8;
	[tilespmem:$0x1B000] =	vst v63  }
0x6e: {  	_ =	swait.ge [sflag:s25], $0x2000  }
0x6f: {  	[sflag:s25] =	ssyncset.done $0x0  }
0x70: {  	s19 =	simm.s32 @!p0 $0x3;
	[sflag:s25] =	ssyncadd.s32 $0xFFFFE000  }
0x71: {  	[spmem:s4] =	stream.indirect.scatter.add.f32 @!p0 [tilespmem:s20], [sflag:$0x3], $0x10, s0, s6, $0xb8;
	[tilespmem:$0x1B000] =	vst v63  }
0x72: {  	_ =	swait.ge @!p0 [sflag:s19], $0x800  }
0x73: {  	[sflag:s19] =	ssyncset.done @!p0 $0x0  }
0x74: {  	s29 =	simm.s32 $0x4F80;
	[sflag:s19] =	ssyncadd.s32 @!p0 $0xFFFFF800  }
0x75: {  	[tilespmem:s23], [sflag:$0x2] =	stream.indirect.gather [hbm4b:s1+s21], $0x40, s29, s21, $0xb8;
	[tilespmem:$0x1B000] =	vst v63  }
0x76: {  	_ =	swait.ge [sflag:s24], $0x2000  }
0x77: {  	[sflag:s24] =	ssyncset.done $0x0  }
0x78: {  	s31 =	simm.s32 $0x9F00;
	[sflag:s24] =	ssyncadd.s32 $0xFFFFE000  }
0x79: {  	[spmem:s3] =	stream.indirect.scatter.add.f32 [tilespmem:s22], [sflag:$0x4], $0x40, s31, s21, $0xb8;
	[tilespmem:$0x1B000] =	vst v63  }
0x7a: {  	_ =	swait.ge [sflag:s25], $0x2000  }
0x7b: {  	[sflag:s25] =	ssyncset.done $0x0  }
0x7c: {  	s0 =	simm.s32 @p0 $0x2;
	[sflag:s25] =	ssyncadd.s32 $0xFFFFE000  }
0x7d: {  	_ =	swait.ge @p0 [sflag:s0], $0x2000  }
0x7e: {  	s28 =	simm.s32 @p0 $0x9F80;
	[sflag:s0] =	ssyncset.done @p0 $0x0  }
0x7f: {  	s29 =	simm.s32 @p0 $0xC000;
	[sflag:s0] =	ssyncadd.s32 @p0 $0xFFFFE000;
	s0 =	simm.s32 @p0 $0x80  }
0x80: {  	[spmem:s3] =	stream.indirect.scatter.add.f32 @p0 [tilespmem:s29], [sflag:$0x4], $0x40, s28, s0, $0xb8;
	[tilespmem:$0x1B000] =	vst v63  }
0x81: {  	s0 =	simm.s32 @p0 $0x4  }
0x82: {  	_ =	swait.ge @p0 [sflag:s0], $0x2000  }
0x83: {  	[sflag:s0] =	ssyncset.done @p0 $0x0  }
0x84: {  	[sflag:s0] =	ssyncadd.s32 @p0 $0xFFFFE000;
	s0 =	simm.s32 @!p0 $0x9F00  }
0x85: {  	[spmem:s4] =	stream.indirect.scatter.add.f32 @!p0 [tilespmem:s20], [sflag:$0x4], $0x10, s0, s6, $0xb8;
	[tilespmem:$0x1B000] =	vst v63  }
0x86: {  	_ =	swait.ge @!p0 [sflag:s2], $0x800  }
0x87: {  	[sflag:s2] =	ssyncset.done @!p0 $0x0  }
0x88: {  	s0 =	simm.s32 @!p0 $0x2;
	[sflag:s2] =	ssyncadd.s32 @!p0 $0xFFFFF800  }
0x89: {  	_ =	swait.ge @!p0 [sflag:s0], $0x2000  }
0x8a: {  	[sflag:s0] =	ssyncset.done @!p0 $0x0  }
0x8b: {  	s28 =	simm.s32 @!p0 $0xC000;
	[sflag:s0] =	ssyncadd.s32 @!p0 $0xFFFFE000;
	s0 =	simm.s32 @!p0 $0x9F80  }
0x8c: {  	[spmem:s3] =	stream.indirect.scatter.add.f32 @!p0 [tilespmem:s28], [sflag:$0x4], $0x40, s0, s6, $0xb8;
	[tilespmem:$0x1B000] =	vst v63  }
0x8d: {  	_ =	swait.ge @!p0 [sflag:s2], $0x2000  }
0x8e: {  	[sflag:s2] =	ssyncset.done @!p0 $0x0  }
0x8f: {  	[sflag:s2] =	ssyncadd.s32 @!p0 $0xFFFFE000  }
0x90: {  	[spmem:s4] =	stream.indirect.scatter.add.f32 @!p0 [tilespmem:s20], [sflag:$0x3], $0x10, s0, s6, $0xb8;
	[tilespmem:$0x1B000] =	vst v63  }
0x91: {  	_ =	swait.ge @!p0 [sflag:s19], $0x800  }
0x92: {  	[sflag:s19] =	ssyncset.done @!p0 $0x0  }
0x93: {  	[sflag:s19] =	ssyncadd.s32 @!p0 $0xFFFFF800  }
0x94: {  	[bflag:$0x0] =	sbarrier.arrive $0xFFFF  }
0x95: {  	[hbm:s13], [sflag:s9] =	dma.local [spmem:s16], $0x1400  }
0x96: {  	s30 =	sadd.s32 $0x1, s30;
	_ =	swait.ge [sflag:s17], $0x1400  }
0x97: {  	p1 =	sne.s32 s30, s15;
	[sflag:s17] =	ssyncset.done $0x0  }
.Ltmp1:
0x98: {  	s0 =	sshrl.u32 @!p0 s10, $0x3;
	[sflag:s17] =	ssyncadd.s32 $0xFFFFEC00;
	(pc) =	sbr.rel @p1 .LBB2_1-.Ltmp1, $4  }
0x99: {  	[hbm:s14], [sflag:s9] =	dma.local @!p0 [spmem:s0], $0x500  }
0x9a: {  	_ =	swait.ge @!p0 [sflag:s19], $0x500  }
0x9b: {  	[sflag:s19] =	ssyncset.done @!p0 $0x0  }
0x9c: {  	[sflag:s19] =	ssyncadd.s32 @!p0 $0xFFFFFB00  }
0x9d: {  	_ =	sfence.sel $0x180000  }
0x9e: {  	[bflag:$0x0] =	sbarrier.arrive $0xFFFF  }
0x9f: {  	_ =	strace $0x90000047  }
0xa0: {  	s0 =	stileid.u32;
	[bflag:$0x2] =	sbarrier.arrive $0xFFFF  }
0xa1: {  	p0 =	sne.s32 s0, $0x0;
	s0 =	rddreg [dreg:$0x5]  }
0xa2: {  	s0 =	sadd.s32 @!p0 $0x100000, s0  }
0xa3: {  	[sflag:s0] =	ssyncadd.tile.s32 @!p0 $0x1;
	_ =	shalt  }
.Lfunc_end2:
_tile_overlayer_lowered:
.L_overlay_start_2:
0xa4: {  	(tag) =	ssettag $0x2  }
0xa5: {  	s0 =	rddreg [dreg:$0x0];
	s2 =	stileid.u32  }
0xa6: {  	s1 =	rddreg [dreg:$0x1];
	p0 =	sne.s32 s2, $0x0  }
0xa7: {  	s3 =	rddreg [dreg:$0x2];
	[bflag:$0x3] =	sbarrier.arrive $0xFFFF;
	s2 =	simm.s32 @!p0 $0x1C03  }
0xa8: {  	[timem:s3], [sflag:s2] =	dma.local @!p0 [hbm:s0], s1  }
0xa9: {  	s0 =	simm.s32 @!p0 $0x3  }
0xaa: {  	_ =	swait.ge @!p0 [sflag:s0], s1  }
0xab: {  	s1 =	ssub.s32 @!p0 $0x0, s1;
	[sflag:s0] =	ssyncset.done @!p0 $0x0  }
0xac: {  	[sflag:s0] =	ssyncadd.s32 @!p0 s1  }
0xad: {  	[bflag:$0x3] =	sbarrier.arrive $0xFFFF  }
0xae: {  	_ =	shalt  }

// kernel: kernel.9.cloned.1.call-start
scs
__scs_entry_jumppad:
0x0: {  	(pc) =	sbr.rel $0x88, $3  }
0x1: {  	(tag) =	ssettag $0x0;
	lr =	simm.s32 $0x1  }
0x2: {  	[smem:$0x3F99] =	sst lr;
	_ =	strace $0xD0000000  }
0x3: {  	_ = 	snop  }
0x4: {  	_ = 	snop  }
0x5: {  	_ = 	snop  }
0x6: {  	_ = 	snop  }
0x7: {  	_ = 	snop  }
__scs_overlays_trampoline_lowered:
0x8: {  	[smem:$0x3FA8] =	sst s0  }
0x9: {  	[smem:$0x3FA9] =	sst s1  }
0xa: {  	[smem:$0x3FAA] =	sst s2  }
0xb: {  	[smem:$0x3FAB] =	sst s3  }
0xc: {  	[smem:$0x3FAC] =	sst s4  }
0xd: {  	[smem:$0x3FAD] =	sst s5  }
0xe: {  	[smem:$0x3FAE] =	sst s6  }
0xf: {  	[smem:$0x3FAF] =	sst s7  }
0x10: {  	[smem:$0x3FB0] =	sst s8  }
0x11: {  	[smem:$0x3FB1] =	sst s9;
	s0 =	simm.s32 @!p0 $0x0  }
0x12: {  	s1 =	sld [smem:$0x3F97];
	s0 =	simm.s32 @p0 $0x1  }
0x13: {  	[smem:$0x3FB2] =	sst s0;
	s0 =	simm.s32 @!p1 $0x0  }
0x14: {  	s2 =	sld [smem:$0x3F96];
	s0 =	simm.s32 @p1 $0x1  }
0x15: {  	[smem:$0x3FB3] =	sst s0;
	s0 =	simm.s32 @!p2 $0x0  }
0x16: {  	s3 =	sld [smem:$0x3FDB];
	s0 =	simm.s32 @p2 $0x1  }
0x17: {  	s4 =	simm.s32 $0x1BF5;
	[smem:$0x3FB5] =	sst s0  }
0x18: {  	s0 =	sld [smem:$0x3F98];
	_ =	swait.ge [sflag:s4], $0x0  }
0x19: {  	s7 =	sld [smem:$0x3F99]  }
0x1a: {  	s8 =	sadd.s32 $0xFFFFE003, lr  }
0x1b: {  	s9 =	sadd.s32 $0xFFFFFEF7, lr;
	s5 =	simm.s32 $0xFFFFFFFF;
	p2 =	slt.u32 s8, $0xFFFFF086  }
0x1c: {  	p1 =	slt.u32 s9, $0xF7A;
	s5 =	simm.s32 @!p2 $0x0  }
0x1d: {  	s5 =	simm.s32 @p1 $0x1;
	p0 =	seq.s32 s7, s2  }
0x1e: {  	s7 =	smul.u32 @!p0 $0xF7A, s2;
	p2 =	seq.s32 @!p0 s5, $0x0  }
0x1f: {  	s9 =	smul.u32 $0xF7A, s1;
	s8 =	simm.s32 @!p0 $0x1BF5;
	p2 =	por !p2, p0  }
0x20: {  	[sflag:s8] =	ssyncset.s32 @!p0 $0xFFFFF086;
	s6 =	sadd.s32 @!p0 s3, s7;
	s7 =	simm.s32 @!p0 $0x108  }
0x21: {  	s3 =	sadd.s32 s3, s9;
	s6 =	sadd.s32 @!p0 $0x88, s6;
	s7 =	simm.s32 @p2 $0x1082  }
0x22: {  	[simem:s7], [sflag:s8] =	dma.local @!p0 [hbm:s6], $0xF7A  }
0x23: {  	s9 =	sor.u32 $0xD0000000, s2;
	s6 =	simm.s32 $0x108;
	_ =	swait.ge @!p0 [sflag:s8], $0x0  }
0x24: {  	s3 =	sadd.s32 $0x88, s3;
	s6 =	simm.s32 @!p1 $0x1082;
	[sflag:s4] =	ssyncset.s32 $0xFFFFF086  }
0x25: {  	[simem:s6], [sflag:s4] =	dma.local [hbm:s3], $0xF7A  }
0x26: {  	[smem:$0x3F99] =	sst s1;
	(tag) =	ssettag s2;
	_ =	strace s9  }
0x27: {  	s1 =	sld [smem:$0x3FA9]  }
0x28: {  	s2 =	sld [smem:$0x3FAA]  }
0x29: {  	s4 =	sld [smem:$0x3FAC]  }
0x2a: {  	p0 =	seq.s32 s5, $0x0;
	s5 =	sld [smem:$0x3FAD]  }
0x2b: {  	s6 =	sld [smem:$0x3FAE]  }
0x2c: {  	s7 =	sld [smem:$0x3FAF]  }
0x2d: {  	s3 =	simm.s32 $0x108;
	s8 =	sld [smem:$0x3FB0]  }
0x2e: {  	s3 =	simm.s32 @!p0 $0x1082;
	s9 =	sld [smem:$0x3FB1]  }
0x2f: {  	lr =	sadd.s32 s0, s3;
	s0 =	sld [smem:$0x3FA8]  }
0x30: {  	s3 =	sld [smem:$0x3FAB]  }
0x31: {  	[smem:$0x3FB4] =	sst s10  }
0x32: {  	s10 =	sld [smem:$0x3FB2];
	_ =	sdelay $0x3  }
0x33: {  	p0 =	seq.s32 s10, $0x1;
	s10 =	sld [smem:$0x3FB4];
	_ =	sdelay $0x3  }
0x34: {  	[smem:$0x3FB4] =	sst s10  }
0x35: {  	s10 =	sld [smem:$0x3FB3];
	_ =	sdelay $0x3  }
0x36: {  	p1 =	seq.s32 s10, $0x1;
	s10 =	sld [smem:$0x3FB4];
	_ =	sdelay $0x3  }
0x37: {  	[smem:$0x3FB4] =	sst s10  }
0x38: {  	s10 =	sld [smem:$0x3FB5]  }
0x39: {  	_ = 	snop;
	(pc) =	sbr.ind lr, $3  }
0x3a: {  	_ = 	snop  }
0x3b: {  	_ = 	snop  }
0x3c: {  	p2 =	seq.s32 s10, $0x1;
	s10 =	sld [smem:$0x3FB4]  }
0x3d: {  	_ =	shalt  }
0x3e: {  	_ =	shalt  }
0x3f: {  	_ =	shalt  }
0x40: {  	_ =	shalt  }
0x41: {  	_ =	shalt  }
0x42: {  	_ =	shalt  }
0x43: {  	_ =	shalt  }
0x44: {  	_ =	shalt  }
0x45: {  	_ =	shalt  }
0x46: {  	_ =	shalt  }
0x47: {  	_ =	shalt  }
0x48: {  	_ =	shalt  }
0x49: {  	_ =	shalt  }
0x4a: {  	_ =	shalt  }
0x4b: {  	_ =	shalt  }
0x4c: {  	_ =	shalt  }
0x4d: {  	_ =	shalt  }
0x4e: {  	_ =	shalt  }
0x4f: {  	_ =	shalt  }
0x50: {  	_ =	shalt  }
0x51: {  	_ =	shalt  }
0x52: {  	_ =	shalt  }
0x53: {  	_ =	shalt  }
0x54: {  	_ =	shalt  }
0x55: {  	_ =	shalt  }
0x56: {  	_ =	shalt  }
0x57: {  	_ =	shalt  }
0x58: {  	_ =	shalt  }
0x59: {  	_ =	shalt  }
0x5a: {  	_ =	shalt  }
0x5b: {  	_ =	shalt  }
0x5c: {  	_ =	shalt  }
0x5d: {  	_ =	shalt  }
0x5e: {  	_ =	shalt  }
0x5f: {  	_ =	shalt  }
0x60: {  	_ =	shalt  }
0x61: {  	_ =	shalt  }
0x62: {  	_ =	shalt  }
0x63: {  	_ =	shalt  }
0x64: {  	_ =	shalt  }
0x65: {  	_ =	shalt  }
0x66: {  	_ =	shalt  }
0x67: {  	_ =	shalt  }
0x68: {  	_ =	shalt  }
0x69: {  	_ =	shalt  }
0x6a: {  	_ =	shalt  }
0x6b: {  	_ =	shalt  }
0x6c: {  	_ =	shalt  }
0x6d: {  	_ =	shalt  }
0x6e: {  	_ =	shalt  }
0x6f: {  	_ =	shalt  }
0x70: {  	_ =	shalt  }
0x71: {  	_ =	shalt  }
0x72: {  	_ =	shalt  }
0x73: {  	_ =	shalt  }
0x74: {  	_ =	shalt  }
0x75: {  	_ =	shalt  }
0x76: {  	_ =	shalt  }
0x77: {  	_ =	shalt  }
0x78: {  	_ =	shalt  }
0x79: {  	_ =	shalt  }
0x7a: {  	_ =	shalt  }
0x7b: {  	_ =	shalt  }
0x7c: {  	_ =	shalt  }
0x7d: {  	_ =	shalt  }
0x7e: {  	_ =	shalt  }
0x7f: {  	_ =	shalt  }
0x80: {  	_ =	shalt  }
0x81: {  	_ =	shalt  }
0x82: {  	_ =	shalt  }
0x83: {  	_ =	shalt  }
0x84: {  	_ =	shalt  }
0x85: {  	_ =	shalt  }
0x86: {  	_ =	shalt  }
0x87: {  	_ =	shalt  }
.Lfunc_end0:
.L_simem_size_0:
called_computation.1_lowered:
.L_overlay_start_0:
0x88: {  	s2 =	sld [smem:$0x3FD9]  }
0x89: {  	s3 =	sld [smem:$0x3FFE];
	_ =	sdelay $0x1  }
0x8a: {  	s1 =	srdreg.scid  }
0x8b: {  	s0 =	sand.u32 $0x1, s1  }
0x8c: {  	s17 =	sshll.u32 s0, $0xA;
	s2 =	sadd.s32 s3, s2  }
0x8d: {  	s2 =	sadd.s32 s2, s17  }
0x8e: {  	[smem:$0x3FC0] =	sst s2  }
0x8f: {  	_ = 	snop  }
0x90: {  	s2 =	sld [smem:$0x3FD0];
	(tm) =	ssettm $0x1  }
0x91: {  	s18 =	sld [smem:$0x3FFB];
	_ =	sdelay $0x3  }
0x92: {  	_ =	strace s18  }
0x93: {  	s3 =	sld [smem:$0x3FFC];
	_ =	sdelay $0x3  }
0x94: {  	_ =	strace s3  }
0x95: {  	s3 =	sld [smem:$0x3FFD];
	_ =	sdelay $0x3  }
0x96: {  	_ =	strace s3  }
0x97: {  	_ =	strace $0x8FFFFFFF  }
0x98: {  	s19 =	sld [smem:$0x3FDB];
	_ =	sdelay $0x1  }
0x99: {  	s4 =	simm.s32 $_scs_section_size  }
0x9a: {  	s5 =	simm.s32 $_size__tile_overlayer_lowered;
	s6 =	simm.s32 $_tile_overlayer_lowered  }
0x9b: {  	s22 =	simm.s32 $0x1BFF;
	s21 =	sshll.u32 s6, $0x1;
	s3 =	sadd.s32 s4, s19  }
0x9c: {  	s7 =	simm.s32 $0x0;
	s20 =	sshll.u32 s5, $0x1;
	s5 =	sadd.s32 s21, s3  }
0x9d: {  	[timem:s7], [sflag:s22] =	dma.local [hbm:s5], s20  }
0x9e: {  	_ =	swait.ge [sflag:s22], s20  }
0x9f: {  	s4 =	ssub.s32 $0x0, s20;
	[sflag:s22] =	ssyncset.done $0x0  }
0xa0: {  	[sflag:s22] =	ssyncadd.s32 s4;
	_ =	sdelay $0x1  }
0xa1: {  	s23 =	simm.s32 $0x1B8B  }
0xa2: {  	_ =	swait.ge [sflag:s23], $0x1  }
0xa3: {  	[sflag:s23] =	ssyncset.done $0x0  }
0xa4: {  	s25 =	simm.s32 $0x1B8E;
	s24 =	sld [smem:$0x3FFE];
	[sflag:s23] =	ssyncadd.s32 $0xFFFFFFFF  }
0xa5: {  	s26 =	simm.s32 $execute0_lowered;
	[smem:$0x3FD2] =	sst s25  }
0xa6: {  	s5 =	sshll.u32 s26, $0x1;
	_ =	strace $0x80000049;
	[dreg:$0x1] =	wrdreg $0xFFFFFFFF  }
0xa7: {  	s28 =	simm.s32 $_size_execute0_lowered;
	s3 =	sadd.s32 s3, s5;
	[dreg:$0x0] =	wrdreg $0x0  }
0xa8: {  	s5 =	sshll.u32 s28, $0x1;
	[dreg:$0x2] =	wrdreg s3  }
0xa9: {  	[dreg:$0x3] =	wrdreg s5  }
0xaa: {  	[dreg:$0x4] =	wrdreg $0xC0  }
0xab: {  	_ =	task [dreg:s7], $0x5FFFF  }
0xac: {  	[dreg:$0x1] =	wrdreg $0xFFFFFFFF  }
0xad: {  	[dreg:$0x0] =	wrdreg $0x60  }
0xae: {  	[dreg:$0x2] =	wrdreg s2  }
0xaf: {  	[dreg:$0x3] =	wrdreg s24  }
0xb0: {  	[dreg:$0x4] =	wrdreg $0xE0000  }
0xb1: {  	[dreg:$0x5] =	wrdreg $0x9  }
0xb2: {  	_ =	task.clear_ibuf [dreg:s7], $0x6FFFF;
	_ =	strace $0x90000049  }
0xb3: {  	s29 =	simm.s32 $0x9;
	_ =	strace $0x8000004B  }
0xb4: {  	_ =	swait.ge [sflag:s29], $0x1  }
0xb5: {  	[sflag:s29] =	ssyncadd.s32 $0xFFFFFFFF  }
0xb6: {  	_ =	strace $0x9000004B  }
0xb7: {  	_ =	sfence  }
0xb8: {  	s30 =	sld [smem:$0x0];
	_ =	sdelay $0x2  }
0xb9: {  	s31 =	sshll.u32 s1, $0xD;
	s1 =	sshrl.u32 s1, $0x2  }
0xba: {  	s3 =	sand.u32 $0x4000, s31;
	s1 =	sadd.s32 s1, s30  }
0xbb: {  	s0 =	sor.u32 s3, s0;
	s1 =	sshll.u32 s1, $0x11  }
0xbc: {  	s0 =	sor.u32 s1, s0  }
0xbd: {  	s0 =	sadd.s32 $0x8F2B, s0  }
0xbe: {  	[sflag:s0] =	ssyncadd.remote.s32 $0x1  }
0xbf: {  	_ =	sfence.sel $0xFFFF  }
0xc0: {  	[dreg:$0x0] =	wrdreg $0xFFFFFFFF;
	(pc) =	sbr.abs _section_cstart, $3  }
0xc1: {  	[dreg:$0x1] =	wrdreg $0xFFFFFFFF  }
0xc2: {  	_ =	task.clear_ibuf [dreg:s7], $0x2FFFF;
	_ =	strace $0x9FFFFFFF  }
0xc3: {  	(tm) =	ssettm $0x7FFFFFFF  }
tec
execute0_lowered:
.L_overlay_start_1:
0x0: {  	(tag) =	ssettag $0x1  }
0x1: {  	s2 =	rddreg [dreg:$0x0]  }
0x2: {  	s6 =	rddreg [dreg:$0x1]  }
0x3: {  	s3 =	rddreg [dreg:$0x2]  }
0x4: {  	s1 =	stileid.u32;
	s0 =	rddreg [dreg:$0x3];
	s4 =	simm.s32 $0x0  }
0x5: {  	s5 =	srdreg.scid;
	s18 =	simm.s32 $0xC000;
	s19 =	simm.s32 $0x1  }
0x6: {  	s20 =	simm.s32 $0x2;
	s21 =	simm.s32 $0x4F80;
	s22 =	simm.s32 $0x9F00  }
0x7: {  	s23 =	simm.s32 $0x9F80;
	s24 =	simm.s32 $0x0;
	s8 =	smul.u32 $0x5000, s1  }
0x8: {  	[smem:$0x7FF] =	sst s4;
	s9 =	sand.u32 $0x1, s5;
	s10 =	sadd.s32 $0x26A00, s6  }
0x9: {  	s5 =	sadd.s32 $0x20600, s6;
	s12 =	sadd.s32 $0x4EA00, s6;
	s13 =	smul.u32 $0xA000, s1  }
0xa: {  	s31 =	sshll.u32 s1, $0x6;
	_ =	strace $0x8000004A;
	s11 =	smul.u32 $0xA0000, s9  }
0xb: {  	s26 =	ssub.s32 $0x2, s9;
	s14 =	smul.u32 $0x140000, s9;
	s9 =	sshllo.u32 s9, $0x1  }
0xc: {  	s7 =	sshrl.u32 s8, $0x3;
	s15 =	sshrl.u32 s26, $0x1;
	s16 =	smul.u32 $0x50000, s9  }
0xd: {  	s9 =	smul.u32 $0xA0000, s9;
	s17 =	sadd.s32 s13, s3;
	s7 =	sadd.s32 s7, s6  }
0xe: {  	s11 =	sadd.s32 s8, s11;
	s15 =	ssub.s32 s26, s15;
	s28 =	sadd.s32 s13, s14  }
0xf: {  	s14 =	sor.u32 $0x1C03, s31;
	s11 =	sshrl.u32 s11, $0x3;
	s6 =	sadd.s32 $0x1E00, s7  }
0x10: {  	s8 =	sadd.s32 s8, s16;
	s9 =	sadd.s32 s13, s9;
	s13 =	simm.s32 $0x3  }
0x11: {  	s16 =	simm.s32 $0x80;
	s7 =	sadd.s32 s10, s11;
	s11 =	sshrl.u32 s28, $0x3  }
0x12: {  	s29 =	sshrl.u32 s8, $0x3;
	s30 =	sshrl.u32 s9, $0x3;
	s8 =	sadd.s32 s12, s11  }
0x13: {  	s9 =	sadd.s32 s10, s29;
	s10 =	sadd.s32 s12, s30;
	s11 =	smax.u32 s15, $0x1  }
0x14: {  	s12 =	simm.s32 $0x5000;
	s15 =	sshrl.u32 s17, $0x3;
	s17 =	simm.s32 $0xA000  }
.LBB2_1:
0x15: {  	[tilespmem:s12], [sflag:$0x3] =	stream.linear.gather [hbm4b:s6+s4], $0x5000, $0x38;
	[tilespmem:$0x18000] =	vst v63  }
0x16: {  	_ =	swait.ge [sflag:s13], $0x5000  }
0x17: {  	[sflag:s13] =	ssyncset.done $0x0  }
0x18: {  	[sflag:s13] =	ssyncadd.s32 $0xFFFFB000  }
0x19: {  	[tilespmem:s4], [sflag:$0x3] =	stream.linear.gather [hbm4b:s7+s4], $0x5000, $0x38;
	[tilespmem:$0x18000] =	vst v63  }
0x1a: {  	_ =	swait.ge [sflag:s13], $0x5000  }
0x1b: {  	[sflag:s13] =	ssyncset.done $0x0  }
0x1c: {  	[sflag:s13] =	ssyncadd.s32 $0xFFFFB000  }
0x1d: {  	[spmem:s15], [sflag:s14] =	dma.local [hbm:s5], $0x1400  }
0x1e: {  	_ =	swait.ge [sflag:s13], $0x1400  }
0x1f: {  	[sflag:s13] =	ssyncset.done $0x0  }
0x20: {  	[sflag:s13] =	ssyncadd.s32 $0xFFFFEC00  }
0x21: {  	[bflag:$0x0] =	sbarrier.arrive $0xFFFF  }
0x22: {  	[tilespmem:s17], [sflag:$0x1] =	stream.indirect.gather [hbm4b:s2+s16], $0x40, s4, s16, $0xb8;
	[tilespmem:$0x18000] =	vst v63  }
0x23: {  	s25 =	simm.s32 $0x80  }
0x24: {  	[tilespmem:s18], [sflag:$0x2] =	stream.indirect.gather [hbm4b:s2+s16], $0x40, s25, s16, $0xb8;
	[tilespmem:$0x18000] =	vst v63  }
0x25: {  	_ =	swait.ge [sflag:s19], $0x2000  }
0x26: {  	[sflag:s19] =	ssyncset.done $0x0  }
0x27: {  	s29 =	simm.s32 $0x5000;
	[sflag:s19] =	ssyncadd.s32 $0xFFFFE000  }
0x28: {  	[spmem:s3] =	stream.indirect.scatter.add.f32 [tilespmem:s17], [sflag:$0x3], $0x40, s29, s16, $0xb8;
	[tilespmem:$0x18000] =	vst v63  }
0x29: {  	_ =	swait.ge [sflag:s13], $0x2000  }
0x2a: {  	[sflag:s13] =	ssyncset.done $0x0  }
0x2b: {  	s30 =	simm.s32 $0x100;
	[sflag:s13] =	ssyncadd.s32 $0xFFFFE000  }
0x2c: {  	[tilespmem:s17], [sflag:$0x1] =	stream.indirect.gather [hbm4b:s2+s16], $0x40, s30, s16, $0xb8;
	[tilespmem:$0x18000] =	vst v63  }
0x2d: {  	_ =	swait.ge [sflag:s20], $0x2000  }
0x2e: {  	[sflag:s20] =	ssyncset.done $0x0  }
0x2f: {  	s31 =	simm.s32 $0x5080;
	[sflag:s20] =	ssyncadd.s32 $0xFFFFE000  }
0x30: {  	[spmem:s3] =	stream.indirect.scatter.add.f32 [tilespmem:s18], [sflag:$0x3], $0x40, s31, s16, $0xb8;
	[tilespmem:$0x18000] =	vst v63  }
0x31: {  	_ =	swait.ge [sflag:s13], $0x2000  }
0x32: {  	s26 =	simm.s32 $0x800;
	s25 =	simm.s32 $0x100;
	[sflag:s13] =	ssyncset.done $0x0  }
.LBB2_2:
0x33: {  	s28 =	sadd.s32 $0x80, s25  }
0x34: {  	[sflag:s13] =	ssyncadd.s32 $0xFFFFE000;
	s29 =	smov.u32 s26;
	s30 =	sadd.s32 $0x400, s26  }
0x35: {  	[tilespmem:s18], [sflag:$0x2] =	stream.indirect.gather [hbm4b:s2+s16], $0x40, s28, s16, $0xb8;
	[tilespmem:$0x18000] =	vst v63  }
0x36: {  	p0 =	sne.s32 s26, $0x13800;
	_ =	swait.ge [sflag:s19], $0x2000  }
0x37: {  	[sflag:s19] =	ssyncset.done $0x0  }
0x38: {  	s26 =	sadd.s32 $0x5000, s25;
	[sflag:s19] =	ssyncadd.s32 $0xFFFFE000  }
0x39: {  	[spmem:s3] =	stream.indirect.scatter.add.f32 [tilespmem:s17], [sflag:$0x3], $0x40, s26, s16, $0xb8;
	[tilespmem:$0x18000] =	vst v63  }
0x3a: {  	_ =	swait.ge [sflag:s13], $0x2000  }
0x3b: {  	[sflag:s13] =	ssyncset.done $0x0  }
0x3c: {  	s26 =	sadd.s32 $0x100, s25;
	[sflag:s13] =	ssyncadd.s32 $0xFFFFE000  }
0x3d: {  	[tilespmem:s17], [sflag:$0x1] =	stream.indirect.gather [hbm4b:s2+s16], $0x40, s26, s16, $0xb8;
	[tilespmem:$0x18000] =	vst v63  }
0x3e: {  	_ =	swait.ge [sflag:s20], $0x2000  }
.Ltmp0:
0x3f: {  	[sflag:s20] =	ssyncset.done $0x0;
	(pc) =	sbr.rel @p0 .LBB2_2-.Ltmp0, $4  }
0x40: {  	s25 =	sadd.s32 $0x5080, s25;
	[sflag:s20] =	ssyncadd.s32 $0xFFFFE000  }
0x41: {  	[spmem:s3] =	stream.indirect.scatter.add.f32 [tilespmem:s18], [sflag:$0x3], $0x40, s25, s16, $0xb8;
	[tilespmem:$0x18000] =	vst v63  }
0x42: {  	_ =	swait.ge [sflag:s13], $0x2000  }
0x43: {  	s26 =	smov.u32 s30;
	s25 =	sshra.s32 s29, $0x2;
	[sflag:s13] =	ssyncset.done $0x0  }
0x44: {  	s26 =	sadd.s32 $0x80, s25;
	[sflag:s13] =	ssyncadd.s32 $0xFFFFE000  }
0x45: {  	[tilespmem:s18], [sflag:$0x2] =	stream.indirect.gather [hbm4b:s2+s16], $0x40, s26, s16, $0xb8;
	[tilespmem:$0x18000] =	vst v63  }
0x46: {  	_ =	swait.ge [sflag:s19], $0x2000  }
0x47: {  	[sflag:s19] =	ssyncset.done $0x0  }
0x48: {  	s29 =	sadd.s32 $0x5000, s25;
	[sflag:s19] =	ssyncadd.s32 $0xFFFFE000  }
0x49: {  	[spmem:s3] =	stream.indirect.scatter.add.f32 [tilespmem:s17], [sflag:$0x3], $0x40, s29, s16, $0xb8;
	[tilespmem:$0x18000] =	vst v63  }
0x4a: {  	_ =	swait.ge [sflag:s13], $0x2000  }
0x4b: {  	[sflag:s13] =	ssyncset.done $0x0  }
0x4c: {  	s30 =	sadd.s32 $0x100, s25;
	[sflag:s13] =	ssyncadd.s32 $0xFFFFE000  }
0x4d: {  	[tilespmem:s17], [sflag:$0x1] =	stream.indirect.gather [hbm4b:s2+s16], $0x40, s30, s16, $0xb8;
	[tilespmem:$0x18000] =	vst v63  }
0x4e: {  	_ =	swait.ge [sflag:s20], $0x2000  }
0x4f: {  	[sflag:s20] =	ssyncset.done $0x0  }
0x50: {  	s31 =	sadd.s32 $0x5080, s25;
	[sflag:s20] =	ssyncadd.s32 $0xFFFFE000  }
0x51: {  	[spmem:s3] =	stream.indirect.scatter.add.f32 [tilespmem:s18], [sflag:$0x3], $0x40, s31, s16, $0xb8;
	[tilespmem:$0x18000] =	vst v63  }
0x52: {  	_ =	swait.ge [sflag:s13], $0x2000  }
0x53: {  	[sflag:s13] =	ssyncset.done $0x0  }
0x54: {  	[sflag:s13] =	ssyncadd.s32 $0xFFFFE000  }
0x55: {  	[tilespmem:s18], [sflag:$0x2] =	stream.indirect.gather [hbm4b:s2+s16], $0x40, s21, s16, $0xb8;
	[tilespmem:$0x18000] =	vst v63  }
0x56: {  	_ =	swait.ge [sflag:s19], $0x2000  }
0x57: {  	[sflag:s19] =	ssyncset.done $0x0  }
0x58: {  	[sflag:s19] =	ssyncadd.s32 $0xFFFFE000  }
0x59: {  	[spmem:s3] =	stream.indirect.scatter.add.f32 [tilespmem:s17], [sflag:$0x3], $0x40, s22, s16, $0xb8;
	[tilespmem:$0x18000] =	vst v63  }
0x5a: {  	_ =	swait.ge [sflag:s13], $0x2000  }
0x5b: {  	[sflag:s13] =	ssyncset.done $0x0  }
0x5c: {  	[sflag:s13] =	ssyncadd.s32 $0xFFFFE000  }
0x5d: {  	_ =	swait.ge [sflag:s20], $0x2000  }
0x5e: {  	[sflag:s20] =	ssyncset.done $0x0  }
0x5f: {  	[sflag:s20] =	ssyncadd.s32 $0xFFFFE000  }
0x60: {  	[spmem:s3] =	stream.indirect.scatter.add.f32 [tilespmem:s18], [sflag:$0x3], $0x40, s23, s16, $0xb8;
	[tilespmem:$0x18000] =	vst v63  }
0x61: {  	_ =	swait.ge [sflag:s13], $0x2000  }
0x62: {  	[sflag:s13] =	ssyncset.done $0x0  }
0x63: {  	[sflag:s13] =	ssyncadd.s32 $0xFFFFE000  }
0x64: {  	[bflag:$0x0] =	sbarrier.arrive $0xFFFF  }
0x65: {  	[hbm:s8], [sflag:s14] =	dma.local [spmem:s15], $0x1400  }
0x66: {  	_ =	swait.ge [sflag:s13], $0x1400  }
0x67: {  	[sflag:s13] =	ssyncset.done $0x0  }
0x68: {  	[sflag:s13] =	ssyncadd.s32 $0xFFFFEC00  }
0x69: {  	s26 =	simm.s32 $0x0;
	[bflag:$0x0] =	sbarrier.arrive $0xFFFF  }
0x6a: {  	[tilespmem:s26], [sflag:$0x3] =	stream.linear.gather [hbm4b:s9+s26], $0x5000, $0x38;
	[tilespmem:$0x18000] =	vst v63  }
0x6b: {  	_ =	swait.ge [sflag:s13], $0x5000  }
0x6c: {  	[sflag:s13] =	ssyncset.done $0x0  }
0x6d: {  	[sflag:s13] =	ssyncadd.s32 $0xFFFFB000  }
0x6e: {  	[spmem:s15], [sflag:s14] =	dma.local [hbm:s5], $0x1400  }
0x6f: {  	_ =	swait.ge [sflag:s13], $0x1400  }
0x70: {  	[sflag:s13] =	ssyncset.done $0x0  }
0x71: {  	[sflag:s13] =	ssyncadd.s32 $0xFFFFEC00  }
0x72: {  	[bflag:$0x0] =	sbarrier.arrive $0xFFFF  }
0x73: {  	[tilespmem:s17], [sflag:$0x1] =	stream.indirect.gather [hbm4b:s2+s16], $0x40, s26, s16, $0xb8;
	[tilespmem:$0x18000] =	vst v63  }
0x74: {  	s28 =	simm.s32 $0x80  }
0x75: {  	[tilespmem:s18], [sflag:$0x2] =	stream.indirect.gather [hbm4b:s2+s16], $0x40, s28, s16, $0xb8;
	[tilespmem:$0x18000] =	vst v63  }
0x76: {  	_ =	swait.ge [sflag:s19], $0x2000  }
0x77: {  	[sflag:s19] =	ssyncset.done $0x0  }
0x78: {  	s29 =	simm.s32 $0x5000;
	[sflag:s19] =	ssyncadd.s32 $0xFFFFE000  }
0x79: {  	[spmem:s3] =	stream.indirect.scatter.add.f32 [tilespmem:s17], [sflag:$0x3], $0x40, s29, s16, $0xb8;
	[tilespmem:$0x18000] =	vst v63  }
0x7a: {  	_ =	swait.ge [sflag:s13], $0x2000  }
0x7b: {  	[sflag:s13] =	ssyncset.done $0x0  }
0x7c: {  	s30 =	simm.s32 $0x100;
	[sflag:s13] =	ssyncadd.s32 $0xFFFFE000  }
0x7d: {  	[tilespmem:s17], [sflag:$0x1] =	stream.indirect.gather [hbm4b:s2+s16], $0x40, s30, s16, $0xb8;
	[tilespmem:$0x18000] =	vst v63  }
0x7e: {  	_ =	swait.ge [sflag:s20], $0x2000  }
0x7f: {  	[sflag:s20] =	ssyncset.done $0x0  }
0x80: {  	s31 =	simm.s32 $0x5080;
	[sflag:s20] =	ssyncadd.s32 $0xFFFFE000  }
0x81: {  	[spmem:s3] =	stream.indirect.scatter.add.f32 [tilespmem:s18], [sflag:$0x3], $0x40, s31, s16, $0xb8;
	[tilespmem:$0x18000] =	vst v63  }
0x82: {  	_ =	swait.ge [sflag:s13], $0x2000  }
0x83: {  	s25 =	simm.s32 $0x100;
	s26 =	simm.s32 $0x800;
	[sflag:s13] =	ssyncset.done $0x0  }
.LBB2_4:
0x84: {  	s28 =	sadd.s32 $0x80, s25  }
0x85: {  	[sflag:s13] =	ssyncadd.s32 $0xFFFFE000;
	s29 =	smov.u32 s26;
	s30 =	sadd.s32 $0x400, s26  }
0x86: {  	[tilespmem:s18], [sflag:$0x2] =	stream.indirect.gather [hbm4b:s2+s16], $0x40, s28, s16, $0xb8;
	[tilespmem:$0x18000] =	vst v63  }
0x87: {  	p0 =	sne.s32 s26, $0x13800;
	_ =	swait.ge [sflag:s19], $0x2000  }
0x88: {  	[sflag:s19] =	ssyncset.done $0x0  }
0x89: {  	s26 =	sadd.s32 $0x5000, s25;
	[sflag:s19] =	ssyncadd.s32 $0xFFFFE000  }
0x8a: {  	[spmem:s3] =	stream.indirect.scatter.add.f32 [tilespmem:s17], [sflag:$0x3], $0x40, s26, s16, $0xb8;
	[tilespmem:$0x18000] =	vst v63  }
0x8b: {  	_ =	swait.ge [sflag:s13], $0x2000  }
0x8c: {  	[sflag:s13] =	ssyncset.done $0x0  }
0x8d: {  	s26 =	sadd.s32 $0x100, s25;
	[sflag:s13] =	ssyncadd.s32 $0xFFFFE000  }
0x8e: {  	[tilespmem:s17], [sflag:$0x1] =	stream.indirect.gather [hbm4b:s2+s16], $0x40, s26, s16, $0xb8;
	[tilespmem:$0x18000] =	vst v63  }
0x8f: {  	_ =	swait.ge [sflag:s20], $0x2000  }
.Ltmp1:
0x90: {  	[sflag:s20] =	ssyncset.done $0x0;
	(pc) =	sbr.rel @p0 .LBB2_4-.Ltmp1, $4  }
0x91: {  	s25 =	sadd.s32 $0x5080, s25;
	[sflag:s20] =	ssyncadd.s32 $0xFFFFE000  }
0x92: {  	[spmem:s3] =	stream.indirect.scatter.add.f32 [tilespmem:s18], [sflag:$0x3], $0x40, s25, s16, $0xb8;
	[tilespmem:$0x18000] =	vst v63  }
0x93: {  	_ =	swait.ge [sflag:s13], $0x2000  }
0x94: {  	s26 =	smov.u32 s30;
	s25 =	sshra.s32 s29, $0x2;
	[sflag:s13] =	ssyncset.done $0x0  }
0x95: {  	s26 =	sadd.s32 $0x80, s25;
	[sflag:s13] =	ssyncadd.s32 $0xFFFFE000  }
0x96: {  	[tilespmem:s18], [sflag:$0x2] =	stream.indirect.gather [hbm4b:s2+s16], $0x40, s26, s16, $0xb8;
	[tilespmem:$0x18000] =	vst v63  }
0x97: {  	_ =	swait.ge [sflag:s19], $0x2000  }
0x98: {  	[sflag:s19] =	ssyncset.done $0x0  }
0x99: {  	s29 =	sadd.s32 $0x5000, s25;
	[sflag:s19] =	ssyncadd.s32 $0xFFFFE000  }
0x9a: {  	[spmem:s3] =	stream.indirect.scatter.add.f32 [tilespmem:s17], [sflag:$0x3], $0x40, s29, s16, $0xb8;
	[tilespmem:$0x18000] =	vst v63  }
0x9b: {  	_ =	swait.ge [sflag:s13], $0x2000  }
0x9c: {  	[sflag:s13] =	ssyncset.done $0x0  }
0x9d: {  	s30 =	sadd.s32 $0x100, s25;
	[sflag:s13] =	ssyncadd.s32 $0xFFFFE000  }
0x9e: {  	[tilespmem:s17], [sflag:$0x1] =	stream.indirect.gather [hbm4b:s2+s16], $0x40, s30, s16, $0xb8;
	[tilespmem:$0x18000] =	vst v63  }
0x9f: {  	_ =	swait.ge [sflag:s20], $0x2000  }
0xa0: {  	[sflag:s20] =	ssyncset.done $0x0  }
0xa1: {  	s31 =	sadd.s32 $0x5080, s25;
	[sflag:s20] =	ssyncadd.s32 $0xFFFFE000  }
0xa2: {  	[spmem:s3] =	stream.indirect.scatter.add.f32 [tilespmem:s18], [sflag:$0x3], $0x40, s31, s16, $0xb8;
	[tilespmem:$0x18000] =	vst v63  }
0xa3: {  	_ =	swait.ge [sflag:s13], $0x2000  }
0xa4: {  	[sflag:s13] =	ssyncset.done $0x0  }
0xa5: {  	[sflag:s13] =	ssyncadd.s32 $0xFFFFE000  }
0xa6: {  	[tilespmem:s18], [sflag:$0x2] =	stream.indirect.gather [hbm4b:s2+s16], $0x40, s21, s16, $0xb8;
	[tilespmem:$0x18000] =	vst v63  }
0xa7: {  	_ =	swait.ge [sflag:s19], $0x2000  }
0xa8: {  	[sflag:s19] =	ssyncset.done $0x0  }
0xa9: {  	[sflag:s19] =	ssyncadd.s32 $0xFFFFE000  }
0xaa: {  	[spmem:s3] =	stream.indirect.scatter.add.f32 [tilespmem:s17], [sflag:$0x3], $0x40, s22, s16, $0xb8;
	[tilespmem:$0x18000] =	vst v63  }
0xab: {  	_ =	swait.ge [sflag:s13], $0x2000  }
0xac: {  	[sflag:s13] =	ssyncset.done $0x0  }
0xad: {  	[sflag:s13] =	ssyncadd.s32 $0xFFFFE000  }
0xae: {  	_ =	swait.ge [sflag:s20], $0x2000  }
0xaf: {  	[sflag:s20] =	ssyncset.done $0x0  }
0xb0: {  	[sflag:s20] =	ssyncadd.s32 $0xFFFFE000  }
0xb1: {  	[spmem:s3] =	stream.indirect.scatter.add.f32 [tilespmem:s18], [sflag:$0x3], $0x40, s23, s16, $0xb8;
	[tilespmem:$0x18000] =	vst v63  }
0xb2: {  	_ =	swait.ge [sflag:s13], $0x2000  }
0xb3: {  	[sflag:s13] =	ssyncset.done $0x0  }
0xb4: {  	s24 =	sadd.s32 $0x1, s24;
	[sflag:s13] =	ssyncadd.s32 $0xFFFFE000  }
0xb5: {  	p0 =	sne.s32 s24, s11;
	[bflag:$0x0] =	sbarrier.arrive $0xFFFF  }
0xb6: {  	[hbm:s10], [sflag:s14] =	dma.local [spmem:s15], $0x1400  }
.Ltmp2:
0xb7: {  	_ =	swait.ge [sflag:s13], $0x1400;
	(pc) =	sbr.rel @p0 .LBB2_1-.Ltmp2, $3  }
0xb8: {  	[sflag:s13] =	ssyncset.done $0x0  }
0xb9: {  	[sflag:s13] =	ssyncadd.s32 $0xFFFFEC00  }
0xba: {  	[bflag:$0x0] =	sbarrier.arrive $0xFFFF;
	_ =	sdelay $0x1  }
0xbb: {  	_ =	sfence.sel $0x180000  }
0xbc: {  	[bflag:$0x0] =	sbarrier.arrive $0xFFFF  }
0xbd: {  	p0 =	sne.s32 s1, $0x0;
	_ =	strace $0x9000004A  }
0xbe: {  	s0 =	sadd.s32 @!p0 $0x100000, s0;
	[bflag:$0x2] =	sbarrier.arrive $0xFFFF  }
0xbf: {  	[sflag:s0] =	ssyncadd.tile.s32 @!p0 $0x1;
	_ =	shalt  }
.Lfunc_end2:
_tile_overlayer_lowered:
.L_overlay_start_2:
0xc0: {  	(tag) =	ssettag $0x2  }
0xc1: {  	s0 =	rddreg [dreg:$0x0];
	s2 =	stileid.u32  }
0xc2: {  	s1 =	rddreg [dreg:$0x1];
	p0 =	sne.s32 s2, $0x0  }
0xc3: {  	s3 =	rddreg [dreg:$0x2];
	[bflag:$0x3] =	sbarrier.arrive $0xFFFF;
	s2 =	simm.s32 @!p0 $0x1C03  }
0xc4: {  	[timem:s3], [sflag:s2] =	dma.local @!p0 [hbm:s0], s1  }
0xc5: {  	s0 =	simm.s32 @!p0 $0x3  }
0xc6: {  	_ =	swait.ge @!p0 [sflag:s0], s1  }
0xc7: {  	s1 =	ssub.s32 @!p0 $0x0, s1;
	[sflag:s0] =	ssyncset.done @!p0 $0x0  }
0xc8: {  	[sflag:s0] =	ssyncadd.s32 @!p0 s1  }
0xc9: {  	[bflag:$0x3] =	sbarrier.arrive $0xFFFF  }
0xca: {  	_ =	shalt  }

</sc_bundles>
